<compile_context>
chip_gen: v7x
topology: tpu7x:2x2x1
jax: 0.10.2.dev20260603
libtpu: 0.0.44.dev20260713+nightly
codegen_flags: <defaults>
</compile_context>

<pallas_src>
import functools

import jax
import jax.numpy as jnp
from jax import lax
from jax.experimental import pallas as pl
from jax.experimental.pallas import tpu as pltpu
from jax.experimental.pallas import tpu_sc as plsc

B = 16384
D = 128
P = 4
C = 512
CD = D // P
NNEG = 20
NROW = NNEG + 1

NW = 32
CHUNK = 128


def _sc_row_gather(table, ids, n_rows, d):
    per = n_rows // NW
    chunks = per // CHUNK
    ids3 = ids.reshape(NW, chunks, CHUNK)
    mesh = plsc.VectorSubcoreMesh(core_axis_name="c", subcore_axis_name="s")

    @functools.partial(
        pl.kernel,
        mesh=mesh,
        out_type=jax.ShapeDtypeStruct((n_rows, d), jnp.float32),
        scratch_types=[
            pltpu.VMEM((chunks, CHUNK), jnp.int32),
            pltpu.VMEM((CHUNK, d), jnp.float32),
            pltpu.SemaphoreType.DMA,
        ],
    )
    def gather_kernel(table_hbm, ids_hbm, out_hbm, idx_v, rows_v, sem):
        wid = lax.axis_index("s") * 2 + lax.axis_index("c")
        base = pl.multiple_of(wid * per, CHUNK)
        pltpu.sync_copy(ids_hbm.at[wid], idx_v)

        def body(k, carry):
            pltpu.async_copy(table_hbm.at[idx_v.at[k]], rows_v, sem).wait()
            off = pl.multiple_of(base + k * CHUNK, CHUNK)
            pltpu.sync_copy(rows_v, out_hbm.at[pl.ds(off, CHUNK)])
            return carry

        lax.fori_loop(0, chunks, body, 0)

    return gather_kernel(table, ids3)


def _encode(user_emb, centroids, g, blk=1024):

    def body(u_ref, c_ref, g_ref, out_ref):
        u = u_ref[...]
        ii = lax.broadcasted_iota(jnp.int32, (blk, C), 1)
        parts = []
        for p in range(P):
            emb = u[:, p * CD:(p + 1) * CD]
            cp = c_ref[p]
            mm = lax.dot_general(emb, cp, (((1,), (1,)), ((), ())),
                                 precision=lax.Precision.HIGHEST,
                                 preferred_element_type=jnp.float32)
            cn = jnp.sum(cp * cp, axis=1)[None, :]
            s = g_ref[p] + (2.0 * mm - cn)
            m = jnp.max(s, axis=-1, keepdims=True)
            cand = jnp.where(s >= m, ii, jnp.int32(2 ** 30))
            idx = jnp.min(cand, axis=-1, keepdims=True)
            oh = (ii == idx).astype(jnp.float32)
            parts.append(lax.dot_general(oh, cp, (((1,), (0,)), ((), ())),
                                         preferred_element_type=jnp.float32))
        out_ref[...] = jnp.concatenate(parts, axis=1)

    return pl.pallas_call(
        body,
        grid=(B // blk,),
        in_specs=[
            pl.BlockSpec((blk, D), lambda i: (i, 0)),
            pl.BlockSpec((P, C, CD), lambda i: (0, 0, 0)),
            pl.BlockSpec((P, blk, C), lambda i: (0, i, 0)),
        ],
        out_specs=pl.BlockSpec((blk, D), lambda i: (i, 0)),
        out_shape=jax.ShapeDtypeStruct((B, D), jnp.float32),
    )(user_emb, centroids, g)


def _dots(enc, items, blk=1024):

    def body(e_ref, it_ref, o_ref):
        e = e_ref[...]
        cols = [jnp.sum(e * it_ref[j], axis=1, keepdims=True)
                for j in range(NROW)]
        o_ref[...] = jnp.concatenate(cols, axis=1)

    return pl.pallas_call(
        body,
        grid=(B // blk,),
        in_specs=[
            pl.BlockSpec((blk, D), lambda i: (i, 0)),
            pl.BlockSpec((NROW, blk, D), lambda i: (0, i, 0)),
        ],
        out_specs=pl.BlockSpec((blk, NROW), lambda i: (i, 0)),
        out_shape=jax.ShapeDtypeStruct((B, NROW), jnp.float32),
    )(enc, items)


def kernel(user_id, pos_id, neg_ids, user_table, item_table, centroids):
    uid = user_id.reshape(-1).astype(jnp.int32)
    iid = jnp.concatenate(
        [pos_id.reshape(-1), neg_ids.T.reshape(-1)]).astype(jnp.int32)

    gk = jax.random.key(42)
    g = jnp.stack([
        jax.random.gumbel(jax.random.fold_in(gk, i), (B, C), jnp.float32)
        for i in range(P)
    ])

    user_emb = _sc_row_gather(user_table, uid, B, D)
    enc = _encode(user_emb, centroids, g)
    items = _sc_row_gather(item_table, iid, NROW * B, D).reshape(NROW, B, D)
    scores = _dots(enc, items)
    return (scores[:, :1], scores[:, 1:])

# --- scband reference (transcript-rebuilt; emitter-appended) ---
"""Pipeline reference for scband-qvae-cf-26860725469352 (READ-ONLY COPY).

The authoritative reference and input builder live on the scoring server;
editing this copy changes nothing except your own understanding.
"""

import jax, jax.numpy as jnp
import numpy as np

NUM_USER = 100000
NUM_ITEM = 100000
LATENT_DIM = 128
NUM_PARTITIONS = 4
NUM_CENTROIDS = 512
CLUSTER_DIM = LATENT_DIM // NUM_PARTITIONS
B = 16384
NNEG = 20


def setup_inputs(seed: int = 0) -> dict:
    key = jax.random.key(seed)
    ks = jax.random.split(key, 6)
    user_id = jax.random.randint(ks[0], (B, 1), 0, NUM_USER, dtype=jnp.int64 if jax.config.jax_enable_x64 else jnp.int32)
    pos_id = jax.random.randint(ks[1], (B, 1), 0, NUM_ITEM, dtype=jnp.int64 if jax.config.jax_enable_x64 else jnp.int32)
    neg_ids = jax.random.randint(ks[2], (B, NNEG), 0, NUM_ITEM, dtype=jnp.int64 if jax.config.jax_enable_x64 else jnp.int32)
    user_table = jax.random.normal(ks[3], (NUM_USER, LATENT_DIM), jnp.float32) * 0.02
    item_table = jax.random.normal(ks[4], (NUM_ITEM, LATENT_DIM), jnp.float32) * 0.02
    centroids = jax.random.normal(ks[5], (NUM_PARTITIONS, NUM_CENTROIDS, CLUSTER_DIM), jnp.float32) * 0.02
    return {"user_id": user_id, "pos_id": pos_id, "neg_ids": neg_ids,
            "user_table": user_table, "item_table": item_table, "centroids": centroids}


def _gumbel_softmax_hard(key, logits, tau=1.0):
    g = jax.random.gumbel(key, logits.shape, logits.dtype)
    y_soft = jax.nn.softmax((logits + g) / tau, axis=-1)
    idx = jnp.argmax(y_soft, axis=-1)
    y_hard = jax.nn.one_hot(idx, logits.shape[-1], dtype=logits.dtype)
    # straight-through: y_hard - sg(y_soft) + y_soft
    return y_soft + jax.lax.stop_gradient(y_hard - y_soft)


def _encode_user(user_id, user_table, centroids):
    uid = jnp.squeeze(user_id, axis=-1)
    user_emb = jnp.take(user_table, uid, axis=0)  # [B, D]
    gkey = jax.random.key(42)
    parts = []
    logits_list = []
    for i in range(NUM_PARTITIONS):
        s = i * CLUSTER_DIM
        e = (i + 1) * CLUSTER_DIM
        center_embs = centroids[i]  # [C, cd]
        emb = user_emb[:, s:e]  # [B, cd]
        user_norm = (emb ** 2).sum(axis=1).reshape(-1, 1)
        center_norm = (center_embs ** 2).sum(axis=1).reshape(1, -1)
        distance = -(user_norm + center_norm - 2.0 * jnp.matmul(emb, center_embs.T))
        logit = jax.nn.softmax(distance, axis=-1)
        idx_center = _gumbel_softmax_hard(jax.random.fold_in(gkey, i), distance, tau=1.0)
        parts.append(jnp.matmul(idx_center, center_embs))
        logits_list.append(logit)
    encode_emb = jnp.concatenate(parts, axis=1)  # [B, D]
    logits = jnp.stack(logits_list, axis=0)  # [P, B, C]
    return encode_emb, logits


def reference(user_id, pos_id, neg_ids, user_table, item_table, centroids):
    user_vec, logits = _encode_user(user_id, user_table, centroids)
    user_vecs = user_vec[:, None, :]  # [B, 1, D]
    # encode_item == item embedding lookup
    pos_items = jnp.take(item_table, pos_id, axis=0)   # [B, 1, D]
    neg_items = jnp.take(item_table, neg_ids, axis=0)  # [B, NNEG, D]
    pos_scores = (user_vecs * pos_items).sum(-1)  # [B, 1]
    neg_scores = (user_vecs * neg_items).sum(-1)  # [B, NNEG]
    return (pos_scores, neg_scores)

if __name__ == "__main__":
    import jax
    _d = setup_inputs()
    print(jax.jit(kernel)(*tuple(_d.values())))

</pallas_src>

<mosaic_0001>
#map = affine_map<(d0, d1) -> (0, 0)>
#map1 = affine_map<(d0, d1) -> (0, 0, 0)>
module attributes {stable_mosaic.version = 14 : i64} {
  func.func @gather_kernel(%arg0: i32, %arg1: i32, %arg2: memref<100000x128xf32, #tpu.memory_space<hbm>>, %arg3: memref<32x4x128xi32, #tpu.memory_space<hbm>>, %arg4: memref<16384x128xf32, #tpu.memory_space<hbm>>, %arg5: memref<4x128xi32, #tpu.memory_space<vmem>>, %arg6: memref<128x128xf32, #tpu.memory_space<vmem>>, %arg7: memref<!tpu.dma_semaphore, #tpu.memory_space<semaphore_mem>>) attributes {dimension_semantics = [#tpu.dimension_semantics<core_parallel>, #tpu.dimension_semantics<subcore_parallel>], iteration_bounds = array<i64: 2, 16>, scalar_prefetch = 0 : i64, scratch_operands = 3 : i64, tpu.core_type = #tpu.core_type<sc_vector_subcore>, window_params = [{transform_indices = #map}, {transform_indices = #map1}, {transform_indices = #map}]} {
    %mul3A = arith.constant 2 : i32
    %mul3A_0 = arith.muli %arg1, %mul3A : i32
    %add3A = arith.addi %mul3A_0, %arg0 : i32
    %mul3A_1 = arith.constant 512 : i32
    %mul3A_2 = arith.muli %add3A, %mul3A_1 : i32
    %multiple_of3A = tpu.assume_multiple %mul3A_2, 128 : i32
    "tpu.region"() ({
      %run_scoped3A = tpu.sem_alloc : memref<!tpu.dma_semaphore, #tpu.memory_space<semaphore_mem>>
      %dma_start3A = arith.constant 0 : i32
      %dma_start3A_8 = arith.constant 0 : i32
      %dma_start3A_9 = tpu.memref_slice %arg3[%add3A, %dma_start3A, %dma_start3A_8] : memref<32x4x128xi32, #tpu.memory_space<hbm>> -> memref<1x4x128xi32, #tpu.memory_space<hbm>>
      %dma_start3A_10 = tpu.memref_squeeze %dma_start3A_9 : memref<1x4x128xi32, #tpu.memory_space<hbm>> -> memref<4x128xi32, #tpu.memory_space<hbm>>
      %dma_start3A_11 = arith.constant 0 : i32
      %dma_start3A_12 = arith.constant 0 : i32
      %dma_start3A_13 = tpu.memref_slice %arg3[%add3A, %dma_start3A_11, %dma_start3A_12] : memref<32x4x128xi32, #tpu.memory_space<hbm>> -> memref<1x4x128xi32, #tpu.memory_space<hbm>>
      %dma_start3A_14 = tpu.memref_squeeze %dma_start3A_13 : memref<1x4x128xi32, #tpu.memory_space<hbm>> -> memref<4x128xi32, #tpu.memory_space<hbm>>
      tpu.enqueue_dma source(%dma_start3A_14 : memref<4x128xi32, #tpu.memory_space<hbm>>) target(%arg5 : memref<4x128xi32, #tpu.memory_space<vmem>>) target_semaphore(%run_scoped3A : memref<!tpu.dma_semaphore, #tpu.memory_space<semaphore_mem>>)
      %dma_wait3A = arith.constant 0 : i32
      %dma_wait3A_15 = arith.constant 0 : i32
      %dma_wait3A_16 = tpu.memref_slice %arg3[%add3A, %dma_wait3A, %dma_wait3A_15] : memref<32x4x128xi32, #tpu.memory_space<hbm>> -> memref<1x4x128xi32, #tpu.memory_space<hbm>>
      %dma_wait3A_17 = tpu.memref_squeeze %dma_wait3A_16 : memref<1x4x128xi32, #tpu.memory_space<hbm>> -> memref<4x128xi32, #tpu.memory_space<hbm>>
      %dma_wait3A_18 = arith.constant 0 : i32
      %dma_wait3A_19 = arith.constant 0 : i32
      %dma_wait3A_20 = tpu.memref_slice %arg3[%add3A, %dma_wait3A_18, %dma_wait3A_19] : memref<32x4x128xi32, #tpu.memory_space<hbm>> -> memref<1x4x128xi32, #tpu.memory_space<hbm>>
      %dma_wait3A_21 = tpu.memref_squeeze %dma_wait3A_20 : memref<1x4x128xi32, #tpu.memory_space<hbm>> -> memref<4x128xi32, #tpu.memory_space<hbm>>
      tpu.wait_dma2 semaphore(%run_scoped3A : memref<!tpu.dma_semaphore, #tpu.memory_space<semaphore_mem>>) src(%dma_wait3A_21 : memref<4x128xi32, #tpu.memory_space<hbm>>) dst(%arg5 : memref<4x128xi32, #tpu.memory_space<vmem>>)
      tpu.yield
    }) : () -> ()
    %scan3A = arith.constant 0 : i32
    %scan3A_3 = arith.constant 0 : i32
    %scan3A_4 = arith.constant 4 : i32
    %scan3A_5 = arith.addi %scan3A_3, %scan3A_4 : i32
    %scan3A_6 = arith.constant 1 : i32
    scf.for %scan3A_8 = %scan3A_3 to %scan3A_5 step %scan3A_6  : i32 {
      %dma_start3A = arith.constant 0 : i32
      %dma_start3A_9 = tpu.memref_slice %arg5[%scan3A_8, %dma_start3A] : memref<4x128xi32, #tpu.memory_space<vmem>> -> memref<1x128xi32, #tpu.memory_space<vmem>>
      %dma_start3A_10 = tpu.memref_squeeze %dma_start3A_9 : memref<1x128xi32, #tpu.memory_space<vmem>> -> memref<128xi32, #tpu.memory_space<vmem>>
      %dma_start3A_11 = arith.constant 0 : i32
      %dma_start3A_12 = arith.constant 0 : i32
      %dma_start3A_13 = tpu.memref_slice %arg2[%dma_start3A_11, %dma_start3A_12] : memref<100000x128xf32, #tpu.memory_space<hbm>> -> memref<100000x128xf32, #tpu.memory_space<hbm>>
      tpu.enqueue_indirect_dma source(%dma_start3A_13 : memref<100000x128xf32, #tpu.memory_space<hbm>>) target(%arg6 : memref<128x128xf32, #tpu.memory_space<vmem>>) offsets(%dma_start3A_10 : memref<128xi32, #tpu.memory_space<vmem>>) semaphore(%arg7 : memref<!tpu.dma_semaphore, #tpu.memory_space<semaphore_mem>>)
      %dma_wait3A = arith.constant 0 : i32
      %dma_wait3A_14 = tpu.memref_slice %arg5[%scan3A_8, %dma_wait3A] : memref<4x128xi32, #tpu.memory_space<vmem>> -> memref<1x128xi32, #tpu.memory_space<vmem>>
      %dma_wait3A_15 = tpu.memref_squeeze %dma_wait3A_14 : memref<1x128xi32, #tpu.memory_space<vmem>> -> memref<128xi32, #tpu.memory_space<vmem>>
      %dma_wait3A_16 = arith.constant 0 : i32
      %dma_wait3A_17 = arith.constant 0 : i32
      %dma_wait3A_18 = tpu.memref_slice %arg2[%dma_wait3A_16, %dma_wait3A_17] : memref<100000x128xf32, #tpu.memory_space<hbm>> -> memref<100000x128xf32, #tpu.memory_space<hbm>>
      tpu.wait_indirect_dma semaphore(%arg7 : memref<!tpu.dma_semaphore, #tpu.memory_space<semaphore_mem>>) src(%dma_wait3A_18 : memref<100000x128xf32, #tpu.memory_space<hbm>>) dst(%arg6 : memref<128x128xf32, #tpu.memory_space<vmem>>)
      %mul3A_19 = arith.constant 128 : i32
      %mul3A_20 = arith.muli %scan3A_8, %mul3A_19 : i32
      %add3A_21 = arith.addi %multiple_of3A, %mul3A_20 : i32
      %multiple_of3A_22 = tpu.assume_multiple %add3A_21, 128 : i32
      "tpu.region"() ({
        %run_scoped3A = tpu.sem_alloc : memref<!tpu.dma_semaphore, #tpu.memory_space<semaphore_mem>>
        %dma_start3A_23 = arith.constant 0 : i32
        %dma_start3A_24 = tpu.memref_slice %arg4[%multiple_of3A_22, %dma_start3A_23] : memref<16384x128xf32, #tpu.memory_space<hbm>> -> memref<128x128xf32, #tpu.memory_space<hbm>>
        %dma_start3A_25 = arith.constant 0 : i32
        %dma_start3A_26 = tpu.memref_slice %arg4[%multiple_of3A_22, %dma_start3A_25] : memref<16384x128xf32, #tpu.memory_space<hbm>> -> memref<128x128xf32, #tpu.memory_space<hbm>>
        tpu.enqueue_dma source(%arg6 : memref<128x128xf32, #tpu.memory_space<vmem>>) target(%dma_start3A_26 : memref<128x128xf32, #tpu.memory_space<hbm>>) target_semaphore(%run_scoped3A : memref<!tpu.dma_semaphore, #tpu.memory_space<semaphore_mem>>)
        %dma_wait3A_27 = arith.constant 0 : i32
        %dma_wait3A_28 = tpu.memref_slice %arg4[%multiple_of3A_22, %dma_wait3A_27] : memref<16384x128xf32, #tpu.memory_space<hbm>> -> memref<128x128xf32, #tpu.memory_space<hbm>>
        %dma_wait3A_29 = arith.constant 0 : i32
        %dma_wait3A_30 = tpu.memref_slice %arg4[%multiple_of3A_22, %dma_wait3A_29] : memref<16384x128xf32, #tpu.memory_space<hbm>> -> memref<128x128xf32, #tpu.memory_space<hbm>>
        tpu.wait_dma2 semaphore(%run_scoped3A : memref<!tpu.dma_semaphore, #tpu.memory_space<semaphore_mem>>) src(%arg6 : memref<128x128xf32, #tpu.memory_space<vmem>>) dst(%dma_wait3A_30 : memref<128x128xf32, #tpu.memory_space<hbm>>)
        tpu.yield
      }) : () -> ()
    }
    %scan3A_7 = arith.constant 4 : i32
    return
  }
}

#map = affine_map<(d0, d1) -> (0, 0)>
#map1 = affine_map<(d0, d1) -> (0, 0, 0)>
module attributes {stable_mosaic.version = 14 : i64} {
  func.func @gather_kernel(%arg0: i32, %arg1: i32, %arg2: memref<100000x128xf32, #tpu.memory_space<hbm>>, %arg3: memref<32x84x128xi32, #tpu.memory_space<hbm>>, %arg4: memref<344064x128xf32, #tpu.memory_space<hbm>>, %arg5: memref<84x128xi32, #tpu.memory_space<vmem>>, %arg6: memref<128x128xf32, #tpu.memory_space<vmem>>, %arg7: memref<!tpu.dma_semaphore, #tpu.memory_space<semaphore_mem>>) attributes {dimension_semantics = [#tpu.dimension_semantics<core_parallel>, #tpu.dimension_semantics<subcore_parallel>], iteration_bounds = array<i64: 2, 16>, scalar_prefetch = 0 : i64, scratch_operands = 3 : i64, tpu.core_type = #tpu.core_type<sc_vector_subcore>, window_params = [{transform_indices = #map}, {transform_indices = #map1}, {transform_indices = #map}]} {
    %mul3A = arith.constant 2 : i32
    %mul3A_0 = arith.muli %arg1, %mul3A : i32
    %add3A = arith.addi %mul3A_0, %arg0 : i32
    %mul3A_1 = arith.constant 10752 : i32
    %mul3A_2 = arith.muli %add3A, %mul3A_1 : i32
    %multiple_of3A = tpu.assume_multiple %mul3A_2, 128 : i32
    "tpu.region"() ({
      %run_scoped3A = tpu.sem_alloc : memref<!tpu.dma_semaphore, #tpu.memory_space<semaphore_mem>>
      %dma_start3A = arith.constant 0 : i32
      %dma_start3A_8 = arith.constant 0 : i32
      %dma_start3A_9 = tpu.memref_slice %arg3[%add3A, %dma_start3A, %dma_start3A_8] : memref<32x84x128xi32, #tpu.memory_space<hbm>> -> memref<1x84x128xi32, #tpu.memory_space<hbm>>
      %dma_start3A_10 = tpu.memref_squeeze %dma_start3A_9 : memref<1x84x128xi32, #tpu.memory_space<hbm>> -> memref<84x128xi32, #tpu.memory_space<hbm>>
      %dma_start3A_11 = arith.constant 0 : i32
      %dma_start3A_12 = arith.constant 0 : i32
      %dma_start3A_13 = tpu.memref_slice %arg3[%add3A, %dma_start3A_11, %dma_start3A_12] : memref<32x84x128xi32, #tpu.memory_space<hbm>> -> memref<1x84x128xi32, #tpu.memory_space<hbm>>
      %dma_start3A_14 = tpu.memref_squeeze %dma_start3A_13 : memref<1x84x128xi32, #tpu.memory_space<hbm>> -> memref<84x128xi32, #tpu.memory_space<hbm>>
      tpu.enqueue_dma source(%dma_start3A_14 : memref<84x128xi32, #tpu.memory_space<hbm>>) target(%arg5 : memref<84x128xi32, #tpu.memory_space<vmem>>) target_semaphore(%run_scoped3A : memref<!tpu.dma_semaphore, #tpu.memory_space<semaphore_mem>>)
      %dma_wait3A = arith.constant 0 : i32
      %dma_wait3A_15 = arith.constant 0 : i32
      %dma_wait3A_16 = tpu.memref_slice %arg3[%add3A, %dma_wait3A, %dma_wait3A_15] : memref<32x84x128xi32, #tpu.memory_space<hbm>> -> memref<1x84x128xi32, #tpu.memory_space<hbm>>
      %dma_wait3A_17 = tpu.memref_squeeze %dma_wait3A_16 : memref<1x84x128xi32, #tpu.memory_space<hbm>> -> memref<84x128xi32, #tpu.memory_space<hbm>>
      %dma_wait3A_18 = arith.constant 0 : i32
      %dma_wait3A_19 = arith.constant 0 : i32
      %dma_wait3A_20 = tpu.memref_slice %arg3[%add3A, %dma_wait3A_18, %dma_wait3A_19] : memref<32x84x128xi32, #tpu.memory_space<hbm>> -> memref<1x84x128xi32, #tpu.memory_space<hbm>>
      %dma_wait3A_21 = tpu.memref_squeeze %dma_wait3A_20 : memref<1x84x128xi32, #tpu.memory_space<hbm>> -> memref<84x128xi32, #tpu.memory_space<hbm>>
      tpu.wait_dma2 semaphore(%run_scoped3A : memref<!tpu.dma_semaphore, #tpu.memory_space<semaphore_mem>>) src(%dma_wait3A_21 : memref<84x128xi32, #tpu.memory_space<hbm>>) dst(%arg5 : memref<84x128xi32, #tpu.memory_space<vmem>>)
      tpu.yield
    }) : () -> ()
    %scan3A = arith.constant 0 : i32
    %scan3A_3 = arith.constant 0 : i32
    %scan3A_4 = arith.constant 84 : i32
    %scan3A_5 = arith.addi %scan3A_3, %scan3A_4 : i32
    %scan3A_6 = arith.constant 1 : i32
    scf.for %scan3A_8 = %scan3A_3 to %scan3A_5 step %scan3A_6  : i32 {
      %dma_start3A = arith.constant 0 : i32
      %dma_start3A_9 = tpu.memref_slice %arg5[%scan3A_8, %dma_start3A] : memref<84x128xi32, #tpu.memory_space<vmem>> -> memref<1x128xi32, #tpu.memory_space<vmem>>
      %dma_start3A_10 = tpu.memref_squeeze %dma_start3A_9 : memref<1x128xi32, #tpu.memory_space<vmem>> -> memref<128xi32, #tpu.memory_space<vmem>>
      %dma_start3A_11 = arith.constant 0 : i32
      %dma_start3A_12 = arith.constant 0 : i32
      %dma_start3A_13 = tpu.memref_slice %arg2[%dma_start3A_11, %dma_start3A_12] : memref<100000x128xf32, #tpu.memory_space<hbm>> -> memref<100000x128xf32, #tpu.memory_space<hbm>>
      tpu.enqueue_indirect_dma source(%dma_start3A_13 : memref<100000x128xf32, #tpu.memory_space<hbm>>) target(%arg6 : memref<128x128xf32, #tpu.memory_space<vmem>>) offsets(%dma_start3A_10 : memref<128xi32, #tpu.memory_space<vmem>>) semaphore(%arg7 : memref<!tpu.dma_semaphore, #tpu.memory_space<semaphore_mem>>)
      %dma_wait3A = arith.constant 0 : i32
      %dma_wait3A_14 = tpu.memref_slice %arg5[%scan3A_8, %dma_wait3A] : memref<84x128xi32, #tpu.memory_space<vmem>> -> memref<1x128xi32, #tpu.memory_space<vmem>>
      %dma_wait3A_15 = tpu.memref_squeeze %dma_wait3A_14 : memref<1x128xi32, #tpu.memory_space<vmem>> -> memref<128xi32, #tpu.memory_space<vmem>>
      %dma_wait3A_16 = arith.constant 0 : i32
      %dma_wait3A_17 = arith.constant 0 : i32
      %dma_wait3A_18 = tpu.memref_slice %arg2[%dma_wait3A_16, %dma_wait3A_17] : memref<100000x128xf32, #tpu.memory_space<hbm>> -> memref<100000x128xf32, #tpu.memory_space<hbm>>
      tpu.wait_indirect_dma semaphore(%arg7 : memref<!tpu.dma_semaphore, #tpu.memory_space<semaphore_mem>>) src(%dma_wait3A_18 : memref<100000x128xf32, #tpu.memory_space<hbm>>) dst(%arg6 : memref<128x128xf32, #tpu.memory_space<vmem>>)
      %mul3A_19 = arith.constant 128 : i32
      %mul3A_20 = arith.muli %scan3A_8, %mul3A_19 : i32
      %add3A_21 = arith.addi %multiple_of3A, %mul3A_20 : i32
      %multiple_of3A_22 = tpu.assume_multiple %add3A_21, 128 : i32
      "tpu.region"() ({
        %run_scoped3A = tpu.sem_alloc : memref<!tpu.dma_semaphore, #tpu.memory_space<semaphore_mem>>
        %dma_start3A_23 = arith.constant 0 : i32
        %dma_start3A_24 = tpu.memref_slice %arg4[%multiple_of3A_22, %dma_start3A_23] : memref<344064x128xf32, #tpu.memory_space<hbm>> -> memref<128x128xf32, #tpu.memory_space<hbm>>
        %dma_start3A_25 = arith.constant 0 : i32
        %dma_start3A_26 = tpu.memref_slice %arg4[%multiple_of3A_22, %dma_start3A_25] : memref<344064x128xf32, #tpu.memory_space<hbm>> -> memref<128x128xf32, #tpu.memory_space<hbm>>
        tpu.enqueue_dma source(%arg6 : memref<128x128xf32, #tpu.memory_space<vmem>>) target(%dma_start3A_26 : memref<128x128xf32, #tpu.memory_space<hbm>>) target_semaphore(%run_scoped3A : memref<!tpu.dma_semaphore, #tpu.memory_space<semaphore_mem>>)
        %dma_wait3A_27 = arith.constant 0 : i32
        %dma_wait3A_28 = tpu.memref_slice %arg4[%multiple_of3A_22, %dma_wait3A_27] : memref<344064x128xf32, #tpu.memory_space<hbm>> -> memref<128x128xf32, #tpu.memory_space<hbm>>
        %dma_wait3A_29 = arith.constant 0 : i32
        %dma_wait3A_30 = tpu.memref_slice %arg4[%multiple_of3A_22, %dma_wait3A_29] : memref<344064x128xf32, #tpu.memory_space<hbm>> -> memref<128x128xf32, #tpu.memory_space<hbm>>
        tpu.wait_dma2 semaphore(%run_scoped3A : memref<!tpu.dma_semaphore, #tpu.memory_space<semaphore_mem>>) src(%arg6 : memref<128x128xf32, #tpu.memory_space<vmem>>) dst(%dma_wait3A_30 : memref<128x128xf32, #tpu.memory_space<hbm>>)
        tpu.yield
      }) : () -> ()
    }
    %scan3A_7 = arith.constant 84 : i32
    return
  }
}

module attributes {stable_mosaic.version = 14 : i64} {
  func.func @body(%arg0: i32, %arg1: memref<1024x128xf32, #tpu.memory_space<vmem>>, %arg2: memref<4x512x32xf32, #tpu.memory_space<vmem>>, %arg3: memref<4x1024x512xf32, #tpu.memory_space<vmem>>, %arg4: memref<1024x128xf32, #tpu.memory_space<vmem>>) attributes {dimension_semantics = [#tpu.dimension_semantics<arbitrary>], iteration_bounds = array<i64: 16>, scalar_prefetch = 0 : i64, scratch_operands = 0 : i64, tpu.core_type = #tpu.core_type<tc>, window_params = [{transform_indices = @transform_0, window_bounds = array<i64: 1024, 128>}, {pipeline_mode = #tpu.pipeline_mode<synchronous>, transform_indices = @transform_1, window_bounds = array<i64: 4, 512, 32>}, {transform_indices = @transform_2, window_bounds = array<i64: 4, 1024, 512>}, {transform_indices = @transform_3, window_bounds = array<i64: 1024, 128>}]} {
    %get3A = arith.constant 0 : index
    %get3A_0 = arith.constant 0 : index
    %get3A_1 = vector.load %arg1[%get3A, %get3A_0] : memref<1024x128xf32, #tpu.memory_space<vmem>>, vector<1024x128xf32>
    %iota3A = tpu.iota {dimensions = array<i32: 1>} : vector<1024x512xi32>
    %slice3A = vector.extract_strided_slice %get3A_1 {offsets = [0, 0], sizes = [1024, 32], strides = [1, 1]} : vector<1024x128xf32> to vector<1024x32xf32>
    %get3A_2 = arith.constant 0 : index
    %get3A_3 = arith.constant 0 : index
    %get3A_4 = arith.constant 0 : index
    %get3A_5 = vector.load %arg2[%get3A_2, %get3A_3, %get3A_4] : memref<4x512x32xf32, #tpu.memory_space<vmem>>, vector<1x512x32xf32>
    %get3A_6 = vector.shape_cast %get3A_5 : vector<1x512x32xf32> to vector<512x32xf32>
    %dot_general3A = arith.constant dense<0.000000e+00> : vector<1024x512xf32>
    %dot_general3A_7 = tpu.matmul %slice3A, %get3A_6, %dot_general3A {dimension_numbers = #tpu.dot_dimension_numbers<[1], [1], [0], [0], [0, 0, 1, 0], [], []>, precision = #tpu.contract_precision<fp32>, transpose_lhs_hint = false} : vector<1024x32xf32>, vector<512x32xf32>, vector<1024x512xf32> -> vector<1024x512xf32>
    %mul3A = arith.mulf %get3A_6, %get3A_6 : vector<512x32xf32>
    %reduce_sum3A = arith.constant dense<0.000000e+00> : vector<512xf32>
    %reduce_sum3A_8 = vector.multi_reduction <add>, %mul3A, %reduce_sum3A [1] : vector<512x32xf32> to vector<512xf32>
    %broadcast_in_dim3A = vector.shape_cast %reduce_sum3A_8 : vector<512xf32> to vector<1x512xf32>
    %get3A_9 = arith.constant 0 : index
    %get3A_10 = arith.constant 0 : index
    %get3A_11 = arith.constant 0 : index
    %get3A_12 = vector.load %arg3[%get3A_9, %get3A_10, %get3A_11] : memref<4x1024x512xf32, #tpu.memory_space<vmem>>, vector<1x1024x512xf32>
    %get3A_13 = vector.shape_cast %get3A_12 : vector<1x1024x512xf32> to vector<1024x512xf32>
    %mul3A_14 = arith.constant 2.000000e+00 : f32
    %mul3A_15 = vector.broadcast %mul3A_14 : f32 to vector<1024x512xf32>
    %mul3A_16 = arith.mulf %mul3A_15, %dot_general3A_7 : vector<1024x512xf32>
    %sub3A = vector.broadcast %broadcast_in_dim3A : vector<1x512xf32> to vector<1024x512xf32>
    %sub3A_17 = arith.subf %mul3A_16, %sub3A : vector<1024x512xf32>
    %add3A = arith.addf %get3A_13, %sub3A_17 : vector<1024x512xf32>
    %reduce_max3A = arith.constant dense<0xFF800000> : vector<1024xf32>
    %reduce_max3A_18 = vector.multi_reduction <maximumf>, %add3A, %reduce_max3A [1] : vector<1024x512xf32> to vector<1024xf32>
    %broadcast_in_dim3A_19 = vector.shape_cast %reduce_max3A_18 : vector<1024xf32> to vector<1024x1xf32>
    %ge3A = vector.broadcast %broadcast_in_dim3A_19 : vector<1024x1xf32> to vector<1024x512xf32>
    %ge3A_20 = arith.cmpf oge, %add3A, %ge3A : vector<1024x512xf32>
    %jit3A = arith.constant 1073741824 : i32
    %broadcast_in_dim3A_21 = vector.broadcast %jit3A : i32 to vector<1024x512xi32>
    %select_n3A = arith.select %ge3A_20, %iota3A, %broadcast_in_dim3A_21 : vector<1024x512xi1>, vector<1024x512xi32>
    %reduce_min3A = arith.constant dense<2147483647> : vector<1024xi32>
    %reduce_min3A_22 = vector.multi_reduction <minsi>, %select_n3A, %reduce_min3A [1] : vector<1024x512xi32> to vector<1024xi32>
    %broadcast_in_dim3A_23 = vector.shape_cast %reduce_min3A_22 : vector<1024xi32> to vector<1024x1xi32>
    %eq3A = vector.broadcast %broadcast_in_dim3A_23 : vector<1024x1xi32> to vector<1024x512xi32>
    %eq3A_24 = arith.cmpi eq, %iota3A, %eq3A : vector<1024x512xi32>
    %convert_element_type3A = arith.extui %eq3A_24 : vector<1024x512xi1> to vector<1024x512xi32>
    %convert_element_type3A_25 = arith.sitofp %convert_element_type3A : vector<1024x512xi32> to vector<1024x512xf32>
    %dot_general3A_26 = arith.constant dense<0.000000e+00> : vector<1024x32xf32>
    %dot_general3A_27 = tpu.matmul %convert_element_type3A_25, %get3A_6, %dot_general3A_26 {dimension_numbers = #tpu.dot_dimension_numbers<[1], [0], [0], [1], [0, 0, 1, 1], [], []>, transpose_lhs_hint = false} : vector<1024x512xf32>, vector<512x32xf32>, vector<1024x32xf32> -> vector<1024x32xf32>
    %slice3A_28 = vector.extract_strided_slice %get3A_1 {offsets = [0, 32], sizes = [1024, 32], strides = [1, 1]} : vector<1024x128xf32> to vector<1024x32xf32>
    %get3A_29 = arith.constant 1 : index
    %get3A_30 = arith.constant 0 : index
    %get3A_31 = arith.constant 0 : index
    %get3A_32 = vector.load %arg2[%get3A_29, %get3A_30, %get3A_31] : memref<4x512x32xf32, #tpu.memory_space<vmem>>, vector<1x512x32xf32>
    %get3A_33 = vector.shape_cast %get3A_32 : vector<1x512x32xf32> to vector<512x32xf32>
    %dot_general3A_34 = arith.constant dense<0.000000e+00> : vector<1024x512xf32>
    %dot_general3A_35 = tpu.matmul %slice3A_28, %get3A_33, %dot_general3A_34 {dimension_numbers = #tpu.dot_dimension_numbers<[1], [1], [0], [0], [0, 0, 1, 0], [], []>, precision = #tpu.contract_precision<fp32>, transpose_lhs_hint = false} : vector<1024x32xf32>, vector<512x32xf32>, vector<1024x512xf32> -> vector<1024x512xf32>
    %mul3A_36 = arith.mulf %get3A_33, %get3A_33 : vector<512x32xf32>
    %reduce_sum3A_37 = arith.constant dense<0.000000e+00> : vector<512xf32>
    %reduce_sum3A_38 = vector.multi_reduction <add>, %mul3A_36, %reduce_sum3A_37 [1] : vector<512x32xf32> to vector<512xf32>
    %broadcast_in_dim3A_39 = vector.shape_cast %reduce_sum3A_38 : vector<512xf32> to vector<1x512xf32>
    %get3A_40 = arith.constant 1 : index
    %get3A_41 = arith.constant 0 : index
    %get3A_42 = arith.constant 0 : index
    %get3A_43 = vector.load %arg3[%get3A_40, %get3A_41, %get3A_42] : memref<4x1024x512xf32, #tpu.memory_space<vmem>>, vector<1x1024x512xf32>
    %get3A_44 = vector.shape_cast %get3A_43 : vector<1x1024x512xf32> to vector<1024x512xf32>
    %mul3A_45 = arith.constant 2.000000e+00 : f32
    %mul3A_46 = vector.broadcast %mul3A_45 : f32 to vector<1024x512xf32>
    %mul3A_47 = arith.mulf %mul3A_46, %dot_general3A_35 : vector<1024x512xf32>
    %sub3A_48 = vector.broadcast %broadcast_in_dim3A_39 : vector<1x512xf32> to vector<1024x512xf32>
    %sub3A_49 = arith.subf %mul3A_47, %sub3A_48 : vector<1024x512xf32>
    %add3A_50 = arith.addf %get3A_44, %sub3A_49 : vector<1024x512xf32>
    %reduce_max3A_51 = arith.constant dense<0xFF800000> : vector<1024xf32>
    %reduce_max3A_52 = vector.multi_reduction <maximumf>, %add3A_50, %reduce_max3A_51 [1] : vector<1024x512xf32> to vector<1024xf32>
    %broadcast_in_dim3A_53 = vector.shape_cast %reduce_max3A_52 : vector<1024xf32> to vector<1024x1xf32>
    %ge3A_54 = vector.broadcast %broadcast_in_dim3A_53 : vector<1024x1xf32> to vector<1024x512xf32>
    %ge3A_55 = arith.cmpf oge, %add3A_50, %ge3A_54 : vector<1024x512xf32>
    %jit3A_56 = arith.constant 1073741824 : i32
    %broadcast_in_dim3A_57 = vector.broadcast %jit3A_56 : i32 to vector<1024x512xi32>
    %select_n3A_58 = arith.select %ge3A_55, %iota3A, %broadcast_in_dim3A_57 : vector<1024x512xi1>, vector<1024x512xi32>
    %reduce_min3A_59 = arith.constant dense<2147483647> : vector<1024xi32>
    %reduce_min3A_60 = vector.multi_reduction <minsi>, %select_n3A_58, %reduce_min3A_59 [1] : vector<1024x512xi32> to vector<1024xi32>
    %broadcast_in_dim3A_61 = vector.shape_cast %reduce_min3A_60 : vector<1024xi32> to vector<1024x1xi32>
    %eq3A_62 = vector.broadcast %broadcast_in_dim3A_61 : vector<1024x1xi32> to vector<1024x512xi32>
    %eq3A_63 = arith.cmpi eq, %iota3A, %eq3A_62 : vector<1024x512xi32>
    %convert_element_type3A_64 = arith.extui %eq3A_63 : vector<1024x512xi1> to vector<1024x512xi32>
    %convert_element_type3A_65 = arith.sitofp %convert_element_type3A_64 : vector<1024x512xi32> to vector<1024x512xf32>
    %dot_general3A_66 = arith.constant dense<0.000000e+00> : vector<1024x32xf32>
    %dot_general3A_67 = tpu.matmul %convert_element_type3A_65, %get3A_33, %dot_general3A_66 {dimension_numbers = #tpu.dot_dimension_numbers<[1], [0], [0], [1], [0, 0, 1, 1], [], []>, transpose_lhs_hint = false} : vector<1024x512xf32>, vector<512x32xf32>, vector<1024x32xf32> -> vector<1024x32xf32>
    %slice3A_68 = vector.extract_strided_slice %get3A_1 {offsets = [0, 64], sizes = [1024, 32], strides = [1, 1]} : vector<1024x128xf32> to vector<1024x32xf32>
    %get3A_69 = arith.constant 2 : index
    %get3A_70 = arith.constant 0 : index
    %get3A_71 = arith.constant 0 : index
    %get3A_72 = vector.load %arg2[%get3A_69, %get3A_70, %get3A_71] : memref<4x512x32xf32, #tpu.memory_space<vmem>>, vector<1x512x32xf32>
    %get3A_73 = vector.shape_cast %get3A_72 : vector<1x512x32xf32> to vector<512x32xf32>
    %dot_general3A_74 = arith.constant dense<0.000000e+00> : vector<1024x512xf32>
    %dot_general3A_75 = tpu.matmul %slice3A_68, %get3A_73, %dot_general3A_74 {dimension_numbers = #tpu.dot_dimension_numbers<[1], [1], [0], [0], [0, 0, 1, 0], [], []>, precision = #tpu.contract_precision<fp32>, transpose_lhs_hint = false} : vector<1024x32xf32>, vector<512x32xf32>, vector<1024x512xf32> -> vector<1024x512xf32>
    %mul3A_76 = arith.mulf %get3A_73, %get3A_73 : vector<512x32xf32>
    %reduce_sum3A_77 = arith.constant dense<0.000000e+00> : vector<512xf32>
    %reduce_sum3A_78 = vector.multi_reduction <add>, %mul3A_76, %reduce_sum3A_77 [1] : vector<512x32xf32> to vector<512xf32>
    %broadcast_in_dim3A_79 = vector.shape_cast %reduce_sum3A_78 : vector<512xf32> to vector<1x512xf32>
    %get3A_80 = arith.constant 2 : index
    %get3A_81 = arith.constant 0 : index
    %get3A_82 = arith.constant 0 : index
    %get3A_83 = vector.load %arg3[%get3A_80, %get3A_81, %get3A_82] : memref<4x1024x512xf32, #tpu.memory_space<vmem>>, vector<1x1024x512xf32>
    %get3A_84 = vector.shape_cast %get3A_83 : vector<1x1024x512xf32> to vector<1024x512xf32>
    %mul3A_85 = arith.constant 2.000000e+00 : f32
    %mul3A_86 = vector.broadcast %mul3A_85 : f32 to vector<1024x512xf32>
    %mul3A_87 = arith.mulf %mul3A_86, %dot_general3A_75 : vector<1024x512xf32>
    %sub3A_88 = vector.broadcast %broadcast_in_dim3A_79 : vector<1x512xf32> to vector<1024x512xf32>
    %sub3A_89 = arith.subf %mul3A_87, %sub3A_88 : vector<1024x512xf32>
    %add3A_90 = arith.addf %get3A_84, %sub3A_89 : vector<1024x512xf32>
    %reduce_max3A_91 = arith.constant dense<0xFF800000> : vector<1024xf32>
    %reduce_max3A_92 = vector.multi_reduction <maximumf>, %add3A_90, %reduce_max3A_91 [1] : vector<1024x512xf32> to vector<1024xf32>
    %broadcast_in_dim3A_93 = vector.shape_cast %reduce_max3A_92 : vector<1024xf32> to vector<1024x1xf32>
    %ge3A_94 = vector.broadcast %broadcast_in_dim3A_93 : vector<1024x1xf32> to vector<1024x512xf32>
    %ge3A_95 = arith.cmpf oge, %add3A_90, %ge3A_94 : vector<1024x512xf32>
    %jit3A_96 = arith.constant 1073741824 : i32
    %broadcast_in_dim3A_97 = vector.broadcast %jit3A_96 : i32 to vector<1024x512xi32>
    %select_n3A_98 = arith.select %ge3A_95, %iota3A, %broadcast_in_dim3A_97 : vector<1024x512xi1>, vector<1024x512xi32>
    %reduce_min3A_99 = arith.constant dense<2147483647> : vector<1024xi32>
    %reduce_min3A_100 = vector.multi_reduction <minsi>, %select_n3A_98, %reduce_min3A_99 [1] : vector<1024x512xi32> to vector<1024xi32>
    %broadcast_in_dim3A_101 = vector.shape_cast %reduce_min3A_100 : vector<1024xi32> to vector<1024x1xi32>
    %eq3A_102 = vector.broadcast %broadcast_in_dim3A_101 : vector<1024x1xi32> to vector<1024x512xi32>
    %eq3A_103 = arith.cmpi eq, %iota3A, %eq3A_102 : vector<1024x512xi32>
    %convert_element_type3A_104 = arith.extui %eq3A_103 : vector<1024x512xi1> to vector<1024x512xi32>
    %convert_element_type3A_105 = arith.sitofp %convert_element_type3A_104 : vector<1024x512xi32> to vector<1024x512xf32>
    %dot_general3A_106 = arith.constant dense<0.000000e+00> : vector<1024x32xf32>
    %dot_general3A_107 = tpu.matmul %convert_element_type3A_105, %get3A_73, %dot_general3A_106 {dimension_numbers = #tpu.dot_dimension_numbers<[1], [0], [0], [1], [0, 0, 1, 1], [], []>, transpose_lhs_hint = false} : vector<1024x512xf32>, vector<512x32xf32>, vector<1024x32xf32> -> vector<1024x32xf32>
    %slice3A_108 = vector.extract_strided_slice %get3A_1 {offsets = [0, 96], sizes = [1024, 32], strides = [1, 1]} : vector<1024x128xf32> to vector<1024x32xf32>
    %get3A_109 = arith.constant 3 : index
    %get3A_110 = arith.constant 0 : index
    %get3A_111 = arith.constant 0 : index
    %get3A_112 = vector.load %arg2[%get3A_109, %get3A_110, %get3A_111] : memref<4x512x32xf32, #tpu.memory_space<vmem>>, vector<1x512x32xf32>
    %get3A_113 = vector.shape_cast %get3A_112 : vector<1x512x32xf32> to vector<512x32xf32>
    %dot_general3A_114 = arith.constant dense<0.000000e+00> : vector<1024x512xf32>
    %dot_general3A_115 = tpu.matmul %slice3A_108, %get3A_113, %dot_general3A_114 {dimension_numbers = #tpu.dot_dimension_numbers<[1], [1], [0], [0], [0, 0, 1, 0], [], []>, precision = #tpu.contract_precision<fp32>, transpose_lhs_hint = false} : vector<1024x32xf32>, vector<512x32xf32>, vector<1024x512xf32> -> vector<1024x512xf32>
    %mul3A_116 = arith.mulf %get3A_113, %get3A_113 : vector<512x32xf32>
    %reduce_sum3A_117 = arith.constant dense<0.000000e+00> : vector<512xf32>
    %reduce_sum3A_118 = vector.multi_reduction <add>, %mul3A_116, %reduce_sum3A_117 [1] : vector<512x32xf32> to vector<512xf32>
    %broadcast_in_dim3A_119 = vector.shape_cast %reduce_sum3A_118 : vector<512xf32> to vector<1x512xf32>
    %get3A_120 = arith.constant 3 : index
    %get3A_121 = arith.constant 0 : index
    %get3A_122 = arith.constant 0 : index
    %get3A_123 = vector.load %arg3[%get3A_120, %get3A_121, %get3A_122] : memref<4x1024x512xf32, #tpu.memory_space<vmem>>, vector<1x1024x512xf32>
    %get3A_124 = vector.shape_cast %get3A_123 : vector<1x1024x512xf32> to vector<1024x512xf32>
    %mul3A_125 = arith.constant 2.000000e+00 : f32
    %mul3A_126 = vector.broadcast %mul3A_125 : f32 to vector<1024x512xf32>
    %mul3A_127 = arith.mulf %mul3A_126, %dot_general3A_115 : vector<1024x512xf32>
    %sub3A_128 = vector.broadcast %broadcast_in_dim3A_119 : vector<1x512xf32> to vector<1024x512xf32>
    %sub3A_129 = arith.subf %mul3A_127, %sub3A_128 : vector<1024x512xf32>
    %add3A_130 = arith.addf %get3A_124, %sub3A_129 : vector<1024x512xf32>
    %reduce_max3A_131 = arith.constant dense<0xFF800000> : vector<1024xf32>
    %reduce_max3A_132 = vector.multi_reduction <maximumf>, %add3A_130, %reduce_max3A_131 [1] : vector<1024x512xf32> to vector<1024xf32>
    %broadcast_in_dim3A_133 = vector.shape_cast %reduce_max3A_132 : vector<1024xf32> to vector<1024x1xf32>
    %ge3A_134 = vector.broadcast %broadcast_in_dim3A_133 : vector<1024x1xf32> to vector<1024x512xf32>
    %ge3A_135 = arith.cmpf oge, %add3A_130, %ge3A_134 : vector<1024x512xf32>
    %jit3A_136 = arith.constant 1073741824 : i32
    %broadcast_in_dim3A_137 = vector.broadcast %jit3A_136 : i32 to vector<1024x512xi32>
    %select_n3A_138 = arith.select %ge3A_135, %iota3A, %broadcast_in_dim3A_137 : vector<1024x512xi1>, vector<1024x512xi32>
    %reduce_min3A_139 = arith.constant dense<2147483647> : vector<1024xi32>
    %reduce_min3A_140 = vector.multi_reduction <minsi>, %select_n3A_138, %reduce_min3A_139 [1] : vector<1024x512xi32> to vector<1024xi32>
    %broadcast_in_dim3A_141 = vector.shape_cast %reduce_min3A_140 : vector<1024xi32> to vector<1024x1xi32>
    %eq3A_142 = vector.broadcast %broadcast_in_dim3A_141 : vector<1024x1xi32> to vector<1024x512xi32>
    %eq3A_143 = arith.cmpi eq, %iota3A, %eq3A_142 : vector<1024x512xi32>
    %convert_element_type3A_144 = arith.extui %eq3A_143 : vector<1024x512xi1> to vector<1024x512xi32>
    %convert_element_type3A_145 = arith.sitofp %convert_element_type3A_144 : vector<1024x512xi32> to vector<1024x512xf32>
    %dot_general3A_146 = arith.constant dense<0.000000e+00> : vector<1024x32xf32>
    %dot_general3A_147 = tpu.matmul %convert_element_type3A_145, %get3A_113, %dot_general3A_146 {dimension_numbers = #tpu.dot_dimension_numbers<[1], [0], [0], [1], [0, 0, 1, 1], [], []>, transpose_lhs_hint = false} : vector<1024x512xf32>, vector<512x32xf32>, vector<1024x32xf32> -> vector<1024x32xf32>
    %concatenate3A = tpu.concatenate %dot_general3A_27, %dot_general3A_67, %dot_general3A_107, %dot_general3A_147 in 1 : vector<1024x32xf32>, vector<1024x32xf32>, vector<1024x32xf32>, vector<1024x32xf32> -> vector<1024x128xf32>
    %swap3A = arith.constant 0 : index
    %swap3A_148 = arith.constant 0 : index
    %swap3A_149 = vector.load %arg4[%swap3A, %swap3A_148] : memref<1024x128xf32, #tpu.memory_space<vmem>>, vector<1024x128xf32>
    tpu.vector_store %arg4[%swap3A, %swap3A_148], %concatenate3A {strides = array<i32>} : memref<1024x128xf32, #tpu.memory_space<vmem>>, vector<1024x128xf32>,
    return
  }
  func.func @transform_0(%arg0: i32) -> (i32, i32) {
    %c0_i32 = arith.constant 0 : i32
    %c0_i32_0 = arith.constant 0 : i32
    return %arg0, %c0_i32 : i32, i32
  }
  func.func @transform_1(%arg0: i32) -> (i32, i32, i32) {
    %c0_i32 = arith.constant 0 : i32
    %c0_i32_0 = arith.constant 0 : i32
    %c0_i32_1 = arith.constant 0 : i32
    %c0_i32_2 = arith.constant 0 : i32
    return %c0_i32, %c0_i32_0, %c0_i32_1 : i32, i32, i32
  }
  func.func @transform_2(%arg0: i32) -> (i32, i32, i32) {
    %c0_i32 = arith.constant 0 : i32
    %c0_i32_0 = arith.constant 0 : i32
    %c0_i32_1 = arith.constant 0 : i32
    return %c0_i32, %arg0, %c0_i32_0 : i32, i32, i32
  }
  func.func @transform_3(%arg0: i32) -> (i32, i32) {
    %c0_i32 = arith.constant 0 : i32
    %c0_i32_0 = arith.constant 0 : i32
    return %arg0, %c0_i32 : i32, i32
  }
}

module attributes {stable_mosaic.version = 14 : i64} {
  func.func @body(%arg0: i32, %arg1: memref<1024x128xf32, #tpu.memory_space<vmem>>, %arg2: memref<21x1024x128xf32, #tpu.memory_space<vmem>>, %arg3: memref<1024x21xf32, #tpu.memory_space<vmem>>) attributes {dimension_semantics = [#tpu.dimension_semantics<arbitrary>], iteration_bounds = array<i64: 16>, scalar_prefetch = 0 : i64, scratch_operands = 0 : i64, tpu.core_type = #tpu.core_type<tc>, window_params = [{transform_indices = @transform_0, window_bounds = array<i64: 1024, 128>}, {transform_indices = @transform_1, window_bounds = array<i64: 21, 1024, 128>}, {transform_indices = @transform_2, window_bounds = array<i64: 1024, 21>}]} {
    %get3A = arith.constant 0 : index
    %get3A_0 = arith.constant 0 : index
    %get3A_1 = vector.load %arg1[%get3A, %get3A_0] : memref<1024x128xf32, #tpu.memory_space<vmem>>, vector<1024x128xf32>
    %get3A_2 = arith.constant 0 : index
    %get3A_3 = arith.constant 0 : index
    %get3A_4 = arith.constant 0 : index
    %get3A_5 = vector.load %arg2[%get3A_2, %get3A_3, %get3A_4] : memref<21x1024x128xf32, #tpu.memory_space<vmem>>, vector<1x1024x128xf32>
    %get3A_6 = vector.shape_cast %get3A_5 : vector<1x1024x128xf32> to vector<1024x128xf32>
    %mul3A = arith.mulf %get3A_1, %get3A_6 : vector<1024x128xf32>
    %reduce_sum3A = arith.constant dense<0.000000e+00> : vector<1024xf32>
    %reduce_sum3A_7 = vector.multi_reduction <add>, %mul3A, %reduce_sum3A [1] : vector<1024x128xf32> to vector<1024xf32>
    %broadcast_in_dim3A = vector.shape_cast %reduce_sum3A_7 : vector<1024xf32> to vector<1024x1xf32>
    %get3A_8 = arith.constant 1 : index
    %get3A_9 = arith.constant 0 : index
    %get3A_10 = arith.constant 0 : index
    %get3A_11 = vector.load %arg2[%get3A_8, %get3A_9, %get3A_10] : memref<21x1024x128xf32, #tpu.memory_space<vmem>>, vector<1x1024x128xf32>
    %get3A_12 = vector.shape_cast %get3A_11 : vector<1x1024x128xf32> to vector<1024x128xf32>
    %mul3A_13 = arith.mulf %get3A_1, %get3A_12 : vector<1024x128xf32>
    %reduce_sum3A_14 = arith.constant dense<0.000000e+00> : vector<1024xf32>
    %reduce_sum3A_15 = vector.multi_reduction <add>, %mul3A_13, %reduce_sum3A_14 [1] : vector<1024x128xf32> to vector<1024xf32>
    %broadcast_in_dim3A_16 = vector.shape_cast %reduce_sum3A_15 : vector<1024xf32> to vector<1024x1xf32>
    %get3A_17 = arith.constant 2 : index
    %get3A_18 = arith.constant 0 : index
    %get3A_19 = arith.constant 0 : index
    %get3A_20 = vector.load %arg2[%get3A_17, %get3A_18, %get3A_19] : memref<21x1024x128xf32, #tpu.memory_space<vmem>>, vector<1x1024x128xf32>
    %get3A_21 = vector.shape_cast %get3A_20 : vector<1x1024x128xf32> to vector<1024x128xf32>
    %mul3A_22 = arith.mulf %get3A_1, %get3A_21 : vector<1024x128xf32>
    %reduce_sum3A_23 = arith.constant dense<0.000000e+00> : vector<1024xf32>
    %reduce_sum3A_24 = vector.multi_reduction <add>, %mul3A_22, %reduce_sum3A_23 [1] : vector<1024x128xf32> to vector<1024xf32>
    %broadcast_in_dim3A_25 = vector.shape_cast %reduce_sum3A_24 : vector<1024xf32> to vector<1024x1xf32>
    %get3A_26 = arith.constant 3 : index
    %get3A_27 = arith.constant 0 : index
    %get3A_28 = arith.constant 0 : index
    %get3A_29 = vector.load %arg2[%get3A_26, %get3A_27, %get3A_28] : memref<21x1024x128xf32, #tpu.memory_space<vmem>>, vector<1x1024x128xf32>
    %get3A_30 = vector.shape_cast %get3A_29 : vector<1x1024x128xf32> to vector<1024x128xf32>
    %mul3A_31 = arith.mulf %get3A_1, %get3A_30 : vector<1024x128xf32>
    %reduce_sum3A_32 = arith.constant dense<0.000000e+00> : vector<1024xf32>
    %reduce_sum3A_33 = vector.multi_reduction <add>, %mul3A_31, %reduce_sum3A_32 [1] : vector<1024x128xf32> to vector<1024xf32>
    %broadcast_in_dim3A_34 = vector.shape_cast %reduce_sum3A_33 : vector<1024xf32> to vector<1024x1xf32>
    %get3A_35 = arith.constant 4 : index
    %get3A_36 = arith.constant 0 : index
    %get3A_37 = arith.constant 0 : index
    %get3A_38 = vector.load %arg2[%get3A_35, %get3A_36, %get3A_37] : memref<21x1024x128xf32, #tpu.memory_space<vmem>>, vector<1x1024x128xf32>
    %get3A_39 = vector.shape_cast %get3A_38 : vector<1x1024x128xf32> to vector<1024x128xf32>
    %mul3A_40 = arith.mulf %get3A_1, %get3A_39 : vector<1024x128xf32>
    %reduce_sum3A_41 = arith.constant dense<0.000000e+00> : vector<1024xf32>
    %reduce_sum3A_42 = vector.multi_reduction <add>, %mul3A_40, %reduce_sum3A_41 [1] : vector<1024x128xf32> to vector<1024xf32>
    %broadcast_in_dim3A_43 = vector.shape_cast %reduce_sum3A_42 : vector<1024xf32> to vector<1024x1xf32>
    %get3A_44 = arith.constant 5 : index
    %get3A_45 = arith.constant 0 : index
    %get3A_46 = arith.constant 0 : index
    %get3A_47 = vector.load %arg2[%get3A_44, %get3A_45, %get3A_46] : memref<21x1024x128xf32, #tpu.memory_space<vmem>>, vector<1x1024x128xf32>
    %get3A_48 = vector.shape_cast %get3A_47 : vector<1x1024x128xf32> to vector<1024x128xf32>
    %mul3A_49 = arith.mulf %get3A_1, %get3A_48 : vector<1024x128xf32>
    %reduce_sum3A_50 = arith.constant dense<0.000000e+00> : vector<1024xf32>
    %reduce_sum3A_51 = vector.multi_reduction <add>, %mul3A_49, %reduce_sum3A_50 [1] : vector<1024x128xf32> to vector<1024xf32>
    %broadcast_in_dim3A_52 = vector.shape_cast %reduce_sum3A_51 : vector<1024xf32> to vector<1024x1xf32>
    %get3A_53 = arith.constant 6 : index
    %get3A_54 = arith.constant 0 : index
    %get3A_55 = arith.constant 0 : index
    %get3A_56 = vector.load %arg2[%get3A_53, %get3A_54, %get3A_55] : memref<21x1024x128xf32, #tpu.memory_space<vmem>>, vector<1x1024x128xf32>
    %get3A_57 = vector.shape_cast %get3A_56 : vector<1x1024x128xf32> to vector<1024x128xf32>
    %mul3A_58 = arith.mulf %get3A_1, %get3A_57 : vector<1024x128xf32>
    %reduce_sum3A_59 = arith.constant dense<0.000000e+00> : vector<1024xf32>
    %reduce_sum3A_60 = vector.multi_reduction <add>, %mul3A_58, %reduce_sum3A_59 [1] : vector<1024x128xf32> to vector<1024xf32>
    %broadcast_in_dim3A_61 = vector.shape_cast %reduce_sum3A_60 : vector<1024xf32> to vector<1024x1xf32>
    %get3A_62 = arith.constant 7 : index
    %get3A_63 = arith.constant 0 : index
    %get3A_64 = arith.constant 0 : index
    %get3A_65 = vector.load %arg2[%get3A_62, %get3A_63, %get3A_64] : memref<21x1024x128xf32, #tpu.memory_space<vmem>>, vector<1x1024x128xf32>
    %get3A_66 = vector.shape_cast %get3A_65 : vector<1x1024x128xf32> to vector<1024x128xf32>
    %mul3A_67 = arith.mulf %get3A_1, %get3A_66 : vector<1024x128xf32>
    %reduce_sum3A_68 = arith.constant dense<0.000000e+00> : vector<1024xf32>
    %reduce_sum3A_69 = vector.multi_reduction <add>, %mul3A_67, %reduce_sum3A_68 [1] : vector<1024x128xf32> to vector<1024xf32>
    %broadcast_in_dim3A_70 = vector.shape_cast %reduce_sum3A_69 : vector<1024xf32> to vector<1024x1xf32>
    %get3A_71 = arith.constant 8 : index
    %get3A_72 = arith.constant 0 : index
    %get3A_73 = arith.constant 0 : index
    %get3A_74 = vector.load %arg2[%get3A_71, %get3A_72, %get3A_73] : memref<21x1024x128xf32, #tpu.memory_space<vmem>>, vector<1x1024x128xf32>
    %get3A_75 = vector.shape_cast %get3A_74 : vector<1x1024x128xf32> to vector<1024x128xf32>
    %mul3A_76 = arith.mulf %get3A_1, %get3A_75 : vector<1024x128xf32>
    %reduce_sum3A_77 = arith.constant dense<0.000000e+00> : vector<1024xf32>
    %reduce_sum3A_78 = vector.multi_reduction <add>, %mul3A_76, %reduce_sum3A_77 [1] : vector<1024x128xf32> to vector<1024xf32>
    %broadcast_in_dim3A_79 = vector.shape_cast %reduce_sum3A_78 : vector<1024xf32> to vector<1024x1xf32>
    %get3A_80 = arith.constant 9 : index
    %get3A_81 = arith.constant 0 : index
    %get3A_82 = arith.constant 0 : index
    %get3A_83 = vector.load %arg2[%get3A_80, %get3A_81, %get3A_82] : memref<21x1024x128xf32, #tpu.memory_space<vmem>>, vector<1x1024x128xf32>
    %get3A_84 = vector.shape_cast %get3A_83 : vector<1x1024x128xf32> to vector<1024x128xf32>
    %mul3A_85 = arith.mulf %get3A_1, %get3A_84 : vector<1024x128xf32>
    %reduce_sum3A_86 = arith.constant dense<0.000000e+00> : vector<1024xf32>
    %reduce_sum3A_87 = vector.multi_reduction <add>, %mul3A_85, %reduce_sum3A_86 [1] : vector<1024x128xf32> to vector<1024xf32>
    %broadcast_in_dim3A_88 = vector.shape_cast %reduce_sum3A_87 : vector<1024xf32> to vector<1024x1xf32>
    %get3A_89 = arith.constant 10 : index
    %get3A_90 = arith.constant 0 : index
    %get3A_91 = arith.constant 0 : index
    %get3A_92 = vector.load %arg2[%get3A_89, %get3A_90, %get3A_91] : memref<21x1024x128xf32, #tpu.memory_space<vmem>>, vector<1x1024x128xf32>
    %get3A_93 = vector.shape_cast %get3A_92 : vector<1x1024x128xf32> to vector<1024x128xf32>
    %mul3A_94 = arith.mulf %get3A_1, %get3A_93 : vector<1024x128xf32>
    %reduce_sum3A_95 = arith.constant dense<0.000000e+00> : vector<1024xf32>
    %reduce_sum3A_96 = vector.multi_reduction <add>, %mul3A_94, %reduce_sum3A_95 [1] : vector<1024x128xf32> to vector<1024xf32>
    %broadcast_in_dim3A_97 = vector.shape_cast %reduce_sum3A_96 : vector<1024xf32> to vector<1024x1xf32>
    %get3A_98 = arith.constant 11 : index
    %get3A_99 = arith.constant 0 : index
    %get3A_100 = arith.constant 0 : index
    %get3A_101 = vector.load %arg2[%get3A_98, %get3A_99, %get3A_100] : memref<21x1024x128xf32, #tpu.memory_space<vmem>>, vector<1x1024x128xf32>
    %get3A_102 = vector.shape_cast %get3A_101 : vector<1x1024x128xf32> to vector<1024x128xf32>
    %mul3A_103 = arith.mulf %get3A_1, %get3A_102 : vector<1024x128xf32>
    %reduce_sum3A_104 = arith.constant dense<0.000000e+00> : vector<1024xf32>
    %reduce_sum3A_105 = vector.multi_reduction <add>, %mul3A_103, %reduce_sum3A_104 [1] : vector<1024x128xf32> to vector<1024xf32>
    %broadcast_in_dim3A_106 = vector.shape_cast %reduce_sum3A_105 : vector<1024xf32> to vector<1024x1xf32>
    %get3A_107 = arith.constant 12 : index
    %get3A_108 = arith.constant 0 : index
    %get3A_109 = arith.constant 0 : index
    %get3A_110 = vector.load %arg2[%get3A_107, %get3A_108, %get3A_109] : memref<21x1024x128xf32, #tpu.memory_space<vmem>>, vector<1x1024x128xf32>
    %get3A_111 = vector.shape_cast %get3A_110 : vector<1x1024x128xf32> to vector<1024x128xf32>
    %mul3A_112 = arith.mulf %get3A_1, %get3A_111 : vector<1024x128xf32>
    %reduce_sum3A_113 = arith.constant dense<0.000000e+00> : vector<1024xf32>
    %reduce_sum3A_114 = vector.multi_reduction <add>, %mul3A_112, %reduce_sum3A_113 [1] : vector<1024x128xf32> to vector<1024xf32>
    %broadcast_in_dim3A_115 = vector.shape_cast %reduce_sum3A_114 : vector<1024xf32> to vector<1024x1xf32>
    %get3A_116 = arith.constant 13 : index
    %get3A_117 = arith.constant 0 : index
    %get3A_118 = arith.constant 0 : index
    %get3A_119 = vector.load %arg2[%get3A_116, %get3A_117, %get3A_118] : memref<21x1024x128xf32, #tpu.memory_space<vmem>>, vector<1x1024x128xf32>
    %get3A_120 = vector.shape_cast %get3A_119 : vector<1x1024x128xf32> to vector<1024x128xf32>
    %mul3A_121 = arith.mulf %get3A_1, %get3A_120 : vector<1024x128xf32>
    %reduce_sum3A_122 = arith.constant dense<0.000000e+00> : vector<1024xf32>
    %reduce_sum3A_123 = vector.multi_reduction <add>, %mul3A_121, %reduce_sum3A_122 [1] : vector<1024x128xf32> to vector<1024xf32>
    %broadcast_in_dim3A_124 = vector.shape_cast %reduce_sum3A_123 : vector<1024xf32> to vector<1024x1xf32>
    %get3A_125 = arith.constant 14 : index
    %get3A_126 = arith.constant 0 : index
    %get3A_127 = arith.constant 0 : index
    %get3A_128 = vector.load %arg2[%get3A_125, %get3A_126, %get3A_127] : memref<21x1024x128xf32, #tpu.memory_space<vmem>>, vector<1x1024x128xf32>
    %get3A_129 = vector.shape_cast %get3A_128 : vector<1x1024x128xf32> to vector<1024x128xf32>
    %mul3A_130 = arith.mulf %get3A_1, %get3A_129 : vector<1024x128xf32>
    %reduce_sum3A_131 = arith.constant dense<0.000000e+00> : vector<1024xf32>
    %reduce_sum3A_132 = vector.multi_reduction <add>, %mul3A_130, %reduce_sum3A_131 [1] : vector<1024x128xf32> to vector<1024xf32>
    %broadcast_in_dim3A_133 = vector.shape_cast %reduce_sum3A_132 : vector<1024xf32> to vector<1024x1xf32>
    %get3A_134 = arith.constant 15 : index
    %get3A_135 = arith.constant 0 : index
    %get3A_136 = arith.constant 0 : index
    %get3A_137 = vector.load %arg2[%get3A_134, %get3A_135, %get3A_136] : memref<21x1024x128xf32, #tpu.memory_space<vmem>>, vector<1x1024x128xf32>
    %get3A_138 = vector.shape_cast %get3A_137 : vector<1x1024x128xf32> to vector<1024x128xf32>
    %mul3A_139 = arith.mulf %get3A_1, %get3A_138 : vector<1024x128xf32>
    %reduce_sum3A_140 = arith.constant dense<0.000000e+00> : vector<1024xf32>
    %reduce_sum3A_141 = vector.multi_reduction <add>, %mul3A_139, %reduce_sum3A_140 [1] : vector<1024x128xf32> to vector<1024xf32>
    %broadcast_in_dim3A_142 = vector.shape_cast %reduce_sum3A_141 : vector<1024xf32> to vector<1024x1xf32>
    %get3A_143 = arith.constant 16 : index
    %get3A_144 = arith.constant 0 : index
    %get3A_145 = arith.constant 0 : index
    %get3A_146 = vector.load %arg2[%get3A_143, %get3A_144, %get3A_145] : memref<21x1024x128xf32, #tpu.memory_space<vmem>>, vector<1x1024x128xf32>
    %get3A_147 = vector.shape_cast %get3A_146 : vector<1x1024x128xf32> to vector<1024x128xf32>
    %mul3A_148 = arith.mulf %get3A_1, %get3A_147 : vector<1024x128xf32>
    %reduce_sum3A_149 = arith.constant dense<0.000000e+00> : vector<1024xf32>
    %reduce_sum3A_150 = vector.multi_reduction <add>, %mul3A_148, %reduce_sum3A_149 [1] : vector<1024x128xf32> to vector<1024xf32>
    %broadcast_in_dim3A_151 = vector.shape_cast %reduce_sum3A_150 : vector<1024xf32> to vector<1024x1xf32>
    %get3A_152 = arith.constant 17 : index
    %get3A_153 = arith.constant 0 : index
    %get3A_154 = arith.constant 0 : index
    %get3A_155 = vector.load %arg2[%get3A_152, %get3A_153, %get3A_154] : memref<21x1024x128xf32, #tpu.memory_space<vmem>>, vector<1x1024x128xf32>
    %get3A_156 = vector.shape_cast %get3A_155 : vector<1x1024x128xf32> to vector<1024x128xf32>
    %mul3A_157 = arith.mulf %get3A_1, %get3A_156 : vector<1024x128xf32>
    %reduce_sum3A_158 = arith.constant dense<0.000000e+00> : vector<1024xf32>
    %reduce_sum3A_159 = vector.multi_reduction <add>, %mul3A_157, %reduce_sum3A_158 [1] : vector<1024x128xf32> to vector<1024xf32>
    %broadcast_in_dim3A_160 = vector.shape_cast %reduce_sum3A_159 : vector<1024xf32> to vector<1024x1xf32>
    %get3A_161 = arith.constant 18 : index
    %get3A_162 = arith.constant 0 : index
    %get3A_163 = arith.constant 0 : index
    %get3A_164 = vector.load %arg2[%get3A_161, %get3A_162, %get3A_163] : memref<21x1024x128xf32, #tpu.memory_space<vmem>>, vector<1x1024x128xf32>
    %get3A_165 = vector.shape_cast %get3A_164 : vector<1x1024x128xf32> to vector<1024x128xf32>
    %mul3A_166 = arith.mulf %get3A_1, %get3A_165 : vector<1024x128xf32>
    %reduce_sum3A_167 = arith.constant dense<0.000000e+00> : vector<1024xf32>
    %reduce_sum3A_168 = vector.multi_reduction <add>, %mul3A_166, %reduce_sum3A_167 [1] : vector<1024x128xf32> to vector<1024xf32>
    %broadcast_in_dim3A_169 = vector.shape_cast %reduce_sum3A_168 : vector<1024xf32> to vector<1024x1xf32>
    %get3A_170 = arith.constant 19 : index
    %get3A_171 = arith.constant 0 : index
    %get3A_172 = arith.constant 0 : index
    %get3A_173 = vector.load %arg2[%get3A_170, %get3A_171, %get3A_172] : memref<21x1024x128xf32, #tpu.memory_space<vmem>>, vector<1x1024x128xf32>
    %get3A_174 = vector.shape_cast %get3A_173 : vector<1x1024x128xf32> to vector<1024x128xf32>
    %mul3A_175 = arith.mulf %get3A_1, %get3A_174 : vector<1024x128xf32>
    %reduce_sum3A_176 = arith.constant dense<0.000000e+00> : vector<1024xf32>
    %reduce_sum3A_177 = vector.multi_reduction <add>, %mul3A_175, %reduce_sum3A_176 [1] : vector<1024x128xf32> to vector<1024xf32>
    %broadcast_in_dim3A_178 = vector.shape_cast %reduce_sum3A_177 : vector<1024xf32> to vector<1024x1xf32>
    %get3A_179 = arith.constant 20 : index
    %get3A_180 = arith.constant 0 : index
    %get3A_181 = arith.constant 0 : index
    %get3A_182 = vector.load %arg2[%get3A_179, %get3A_180, %get3A_181] : memref<21x1024x128xf32, #tpu.memory_space<vmem>>, vector<1x1024x128xf32>
    %get3A_183 = vector.shape_cast %get3A_182 : vector<1x1024x128xf32> to vector<1024x128xf32>
    %mul3A_184 = arith.mulf %get3A_1, %get3A_183 : vector<1024x128xf32>
    %reduce_sum3A_185 = arith.constant dense<0.000000e+00> : vector<1024xf32>
    %reduce_sum3A_186 = vector.multi_reduction <add>, %mul3A_184, %reduce_sum3A_185 [1] : vector<1024x128xf32> to vector<1024xf32>
    %broadcast_in_dim3A_187 = vector.shape_cast %reduce_sum3A_186 : vector<1024xf32> to vector<1024x1xf32>
    %concatenate3A = tpu.concatenate %broadcast_in_dim3A, %broadcast_in_dim3A_16, %broadcast_in_dim3A_25, %broadcast_in_dim3A_34, %broadcast_in_dim3A_43, %broadcast_in_dim3A_52, %broadcast_in_dim3A_61, %broadcast_in_dim3A_70, %broadcast_in_dim3A_79, %broadcast_in_dim3A_88, %broadcast_in_dim3A_97, %broadcast_in_dim3A_106, %broadcast_in_dim3A_115, %broadcast_in_dim3A_124, %broadcast_in_dim3A_133, %broadcast_in_dim3A_142, %broadcast_in_dim3A_151, %broadcast_in_dim3A_160, %broadcast_in_dim3A_169, %broadcast_in_dim3A_178, %broadcast_in_dim3A_187 in 1 : vector<1024x1xf32>, vector<1024x1xf32>, vector<1024x1xf32>, vector<1024x1xf32>, vector<1024x1xf32>, vector<1024x1xf32>, vector<1024x1xf32>, vector<1024x1xf32>, vector<1024x1xf32>, vector<1024x1xf32>, vector<1024x1xf32>, vector<1024x1xf32>, vector<1024x1xf32>, vector<1024x1xf32>, vector<1024x1xf32>, vector<1024x1xf32>, vector<1024x1xf32>, vector<1024x1xf32>, vector<1024x1xf32>, vector<1024x1xf32>, vector<1024x1xf32> -> vector<1024x21xf32>
    %swap3A = arith.constant 0 : index
    %swap3A_188 = arith.constant 0 : index
    %swap3A_189 = vector.load %arg3[%swap3A, %swap3A_188] : memref<1024x21xf32, #tpu.memory_space<vmem>>, vector<1024x21xf32>
    tpu.vector_store %arg3[%swap3A, %swap3A_188], %concatenate3A {strides = array<i32>} : memref<1024x21xf32, #tpu.memory_space<vmem>>, vector<1024x21xf32>,
    return
  }
  func.func @transform_0(%arg0: i32) -> (i32, i32) {
    %c0_i32 = arith.constant 0 : i32
    %c0_i32_0 = arith.constant 0 : i32
    return %arg0, %c0_i32 : i32, i32
  }
  func.func @transform_1(%arg0: i32) -> (i32, i32, i32) {
    %c0_i32 = arith.constant 0 : i32
    %c0_i32_0 = arith.constant 0 : i32
    %c0_i32_1 = arith.constant 0 : i32
    return %c0_i32, %arg0, %c0_i32_0 : i32, i32, i32
  }
  func.func @transform_2(%arg0: i32) -> (i32, i32) {
    %c0_i32 = arith.constant 0 : i32
    %c0_i32_0 = arith.constant 0 : i32
    return %arg0, %c0_i32 : i32, i32
  }
}

</mosaic_0001>

<sc_bundles>
// kernel: kernel.6.cloned.1.call-start
scs
__scs_entry_jumppad:
0x0: {  	(pc) =	sbr.rel $0x88, $3  }
0x1: {  	(tag) =	ssettag $0x0;
	lr =	simm.s32 $0x1  }
0x2: {  	[smem:$0x3F9B] =	sst lr;
	_ =	strace $0xD0000000  }
0x3: {  	_ = 	snop  }
0x4: {  	_ = 	snop  }
0x5: {  	_ = 	snop  }
0x6: {  	_ = 	snop  }
0x7: {  	_ = 	snop  }
__scs_overlays_trampoline_lowered:
0x8: {  	[smem:$0x3FAA] =	sst s0  }
0x9: {  	[smem:$0x3FAB] =	sst s1  }
0xa: {  	[smem:$0x3FAC] =	sst s2  }
0xb: {  	[smem:$0x3FAD] =	sst s3  }
0xc: {  	[smem:$0x3FAE] =	sst s4  }
0xd: {  	[smem:$0x3FAF] =	sst s5  }
0xe: {  	[smem:$0x3FB0] =	sst s6  }
0xf: {  	[smem:$0x3FB1] =	sst s7  }
0x10: {  	[smem:$0x3FB2] =	sst s8  }
0x11: {  	[smem:$0x3FB3] =	sst s9;
	s0 =	simm.s32 @!p0 $0x0  }
0x12: {  	s1 =	sld [smem:$0x3F99];
	s0 =	simm.s32 @p0 $0x1  }
0x13: {  	[smem:$0x3FB4] =	sst s0;
	s0 =	simm.s32 @!p1 $0x0  }
0x14: {  	s2 =	sld [smem:$0x3F98];
	s0 =	simm.s32 @p1 $0x1  }
0x15: {  	[smem:$0x3FB5] =	sst s0;
	s0 =	simm.s32 @!p2 $0x0  }
0x16: {  	s3 =	sld [smem:$0x3FDB];
	s0 =	simm.s32 @p2 $0x1  }
0x17: {  	s4 =	simm.s32 $0x1BF5;
	[smem:$0x3FB7] =	sst s0  }
0x18: {  	s0 =	sld [smem:$0x3F9A];
	_ =	swait.ge [sflag:s4], $0x0  }
0x19: {  	s7 =	sld [smem:$0x3F9B]  }
0x1a: {  	s8 =	sadd.s32 $0xFFFFE003, lr  }
0x1b: {  	s9 =	sadd.s32 $0xFFFFFEF7, lr;
	s5 =	simm.s32 $0xFFFFFFFF;
	p2 =	slt.u32 s8, $0xFFFFF086  }
0x1c: {  	p1 =	slt.u32 s9, $0xF7A;
	s5 =	simm.s32 @!p2 $0x0  }
0x1d: {  	s5 =	simm.s32 @p1 $0x1;
	p0 =	seq.s32 s7, s2  }
0x1e: {  	s7 =	smul.u32 @!p0 $0xF7A, s2;
	p2 =	seq.s32 @!p0 s5, $0x0  }
0x1f: {  	s9 =	smul.u32 $0xF7A, s1;
	s8 =	simm.s32 @!p0 $0x1BF5;
	p2 =	por !p2, p0  }
0x20: {  	[sflag:s8] =	ssyncset.s32 @!p0 $0xFFFFF086;
	s6 =	sadd.s32 @!p0 s3, s7;
	s7 =	simm.s32 @!p0 $0x108  }
0x21: {  	s3 =	sadd.s32 s3, s9;
	s6 =	sadd.s32 @!p0 $0x88, s6;
	s7 =	simm.s32 @p2 $0x1082  }
0x22: {  	[simem:s7], [sflag:s8] =	dma.local @!p0 [hbm:s6], $0xF7A  }
0x23: {  	s9 =	sor.u32 $0xD0000000, s2;
	s6 =	simm.s32 $0x108;
	_ =	swait.ge @!p0 [sflag:s8], $0x0  }
0x24: {  	s3 =	sadd.s32 $0x88, s3;
	s6 =	simm.s32 @!p1 $0x1082;
	[sflag:s4] =	ssyncset.s32 $0xFFFFF086  }
0x25: {  	[simem:s6], [sflag:s4] =	dma.local [hbm:s3], $0xF7A  }
0x26: {  	[smem:$0x3F9B] =	sst s1;
	(tag) =	ssettag s2;
	_ =	strace s9  }
0x27: {  	s1 =	sld [smem:$0x3FAB]  }
0x28: {  	s2 =	sld [smem:$0x3FAC]  }
0x29: {  	s4 =	sld [smem:$0x3FAE]  }
0x2a: {  	p0 =	seq.s32 s5, $0x0;
	s5 =	sld [smem:$0x3FAF]  }
0x2b: {  	s6 =	sld [smem:$0x3FB0]  }
0x2c: {  	s7 =	sld [smem:$0x3FB1]  }
0x2d: {  	s3 =	simm.s32 $0x108;
	s8 =	sld [smem:$0x3FB2]  }
0x2e: {  	s3 =	simm.s32 @!p0 $0x1082;
	s9 =	sld [smem:$0x3FB3]  }
0x2f: {  	lr =	sadd.s32 s0, s3;
	s0 =	sld [smem:$0x3FAA]  }
0x30: {  	s3 =	sld [smem:$0x3FAD]  }
0x31: {  	[smem:$0x3FB6] =	sst s10  }
0x32: {  	s10 =	sld [smem:$0x3FB4];
	_ =	sdelay $0x3  }
0x33: {  	p0 =	seq.s32 s10, $0x1;
	s10 =	sld [smem:$0x3FB6];
	_ =	sdelay $0x3  }
0x34: {  	[smem:$0x3FB6] =	sst s10  }
0x35: {  	s10 =	sld [smem:$0x3FB5];
	_ =	sdelay $0x3  }
0x36: {  	p1 =	seq.s32 s10, $0x1;
	s10 =	sld [smem:$0x3FB6];
	_ =	sdelay $0x3  }
0x37: {  	[smem:$0x3FB6] =	sst s10  }
0x38: {  	s10 =	sld [smem:$0x3FB7]  }
0x39: {  	_ = 	snop;
	(pc) =	sbr.ind lr, $3  }
0x3a: {  	_ = 	snop  }
0x3b: {  	_ = 	snop  }
0x3c: {  	p2 =	seq.s32 s10, $0x1;
	s10 =	sld [smem:$0x3FB6]  }
0x3d: {  	_ =	shalt  }
0x3e: {  	_ =	shalt  }
0x3f: {  	_ =	shalt  }
0x40: {  	_ =	shalt  }
0x41: {  	_ =	shalt  }
0x42: {  	_ =	shalt  }
0x43: {  	_ =	shalt  }
0x44: {  	_ =	shalt  }
0x45: {  	_ =	shalt  }
0x46: {  	_ =	shalt  }
0x47: {  	_ =	shalt  }
0x48: {  	_ =	shalt  }
0x49: {  	_ =	shalt  }
0x4a: {  	_ =	shalt  }
0x4b: {  	_ =	shalt  }
0x4c: {  	_ =	shalt  }
0x4d: {  	_ =	shalt  }
0x4e: {  	_ =	shalt  }
0x4f: {  	_ =	shalt  }
0x50: {  	_ =	shalt  }
0x51: {  	_ =	shalt  }
0x52: {  	_ =	shalt  }
0x53: {  	_ =	shalt  }
0x54: {  	_ =	shalt  }
0x55: {  	_ =	shalt  }
0x56: {  	_ =	shalt  }
0x57: {  	_ =	shalt  }
0x58: {  	_ =	shalt  }
0x59: {  	_ =	shalt  }
0x5a: {  	_ =	shalt  }
0x5b: {  	_ =	shalt  }
0x5c: {  	_ =	shalt  }
0x5d: {  	_ =	shalt  }
0x5e: {  	_ =	shalt  }
0x5f: {  	_ =	shalt  }
0x60: {  	_ =	shalt  }
0x61: {  	_ =	shalt  }
0x62: {  	_ =	shalt  }
0x63: {  	_ =	shalt  }
0x64: {  	_ =	shalt  }
0x65: {  	_ =	shalt  }
0x66: {  	_ =	shalt  }
0x67: {  	_ =	shalt  }
0x68: {  	_ =	shalt  }
0x69: {  	_ =	shalt  }
0x6a: {  	_ =	shalt  }
0x6b: {  	_ =	shalt  }
0x6c: {  	_ =	shalt  }
0x6d: {  	_ =	shalt  }
0x6e: {  	_ =	shalt  }
0x6f: {  	_ =	shalt  }
0x70: {  	_ =	shalt  }
0x71: {  	_ =	shalt  }
0x72: {  	_ =	shalt  }
0x73: {  	_ =	shalt  }
0x74: {  	_ =	shalt  }
0x75: {  	_ =	shalt  }
0x76: {  	_ =	shalt  }
0x77: {  	_ =	shalt  }
0x78: {  	_ =	shalt  }
0x79: {  	_ =	shalt  }
0x7a: {  	_ =	shalt  }
0x7b: {  	_ =	shalt  }
0x7c: {  	_ =	shalt  }
0x7d: {  	_ =	shalt  }
0x7e: {  	_ =	shalt  }
0x7f: {  	_ =	shalt  }
0x80: {  	_ =	shalt  }
0x81: {  	_ =	shalt  }
0x82: {  	_ =	shalt  }
0x83: {  	_ =	shalt  }
0x84: {  	_ =	shalt  }
0x85: {  	_ =	shalt  }
0x86: {  	_ =	shalt  }
0x87: {  	_ =	shalt  }
.Lfunc_end0:
.L_simem_size_0:
called_computation_lowered:
.L_overlay_start_0:
0x88: {  	s2 =	sld [smem:$0x3FD9]  }
0x89: {  	s3 =	sld [smem:$0x3FFE];
	_ =	sdelay $0x1  }
0x8a: {  	s1 =	srdreg.scid  }
0x8b: {  	s0 =	sand.u32 $0x1, s1  }
0x8c: {  	s17 =	sshll.u32 s0, $0xA;
	s2 =	sadd.s32 s3, s2  }
0x8d: {  	s2 =	sadd.s32 s2, s17  }
0x8e: {  	[smem:$0x3FC2] =	sst s2  }
0x8f: {  	_ = 	snop  }
0x90: {  	s2 =	sld [smem:$0x3FC9]  }
0x91: {  	s18 =	sld [smem:$0x3FC6];
	(tm) =	ssettm $0x1  }
0x92: {  	s4 =	sld [smem:$0x3FFB];
	_ =	sdelay $0x3  }
0x93: {  	_ =	strace s4  }
0x94: {  	s4 =	sld [smem:$0x3FFC];
	_ =	sdelay $0x3  }
0x95: {  	_ =	strace s4  }
0x96: {  	s4 =	sld [smem:$0x3FFD];
	_ =	sdelay $0x3  }
0x97: {  	_ =	strace s4  }
0x98: {  	_ =	strace $0x8FFFFFFF  }
0x99: {  	s19 =	sld [smem:$0x3FDB];
	_ =	sdelay $0x1  }
0x9a: {  	s5 =	simm.s32 $_scs_section_size  }
0x9b: {  	s6 =	simm.s32 $_size__tile_overlayer_lowered;
	s7 =	simm.s32 $_tile_overlayer_lowered  }
0x9c: {  	s22 =	simm.s32 $0x1BFF;
	s21 =	sshll.u32 s7, $0x1;
	s4 =	sadd.s32 s5, s19  }
0x9d: {  	s8 =	simm.s32 $0x0;
	s20 =	sshll.u32 s6, $0x1;
	s6 =	sadd.s32 s21, s4  }
0x9e: {  	[timem:s8], [sflag:s22] =	dma.local [hbm:s6], s20  }
0x9f: {  	_ =	swait.ge [sflag:s22], s20  }
0xa0: {  	s5 =	ssub.s32 $0x0, s20;
	[sflag:s22] =	ssyncset.done $0x0  }
0xa1: {  	[sflag:s22] =	ssyncadd.s32 s5;
	_ =	sdelay $0x1  }
0xa2: {  	s23 =	simm.s32 $0x1B8B  }
0xa3: {  	_ =	swait.ge [sflag:s23], $0x1  }
0xa4: {  	[sflag:s23] =	ssyncset.done $0x0  }
0xa5: {  	s25 =	simm.s32 $0x1B8E;
	s24 =	sld [smem:$0x3FFE];
	[sflag:s23] =	ssyncadd.s32 $0xFFFFFFFF  }
0xa6: {  	s26 =	simm.s32 $execute0_lowered;
	[smem:$0x3FD2] =	sst s25  }
0xa7: {  	s6 =	sshll.u32 s26, $0x1;
	_ =	strace $0x80000046;
	[dreg:$0x1] =	wrdreg $0xFFFFFFFF  }
0xa8: {  	s28 =	simm.s32 $_size_execute0_lowered;
	s4 =	sadd.s32 s4, s6;
	[dreg:$0x0] =	wrdreg $0x0  }
0xa9: {  	s6 =	sshll.u32 s28, $0x1;
	[dreg:$0x2] =	wrdreg s4  }
0xaa: {  	[dreg:$0x3] =	wrdreg s6  }
0xab: {  	[dreg:$0x4] =	wrdreg $0xC0  }
0xac: {  	_ =	task [dreg:s8], $0x5FFFF  }
0xad: {  	[dreg:$0x1] =	wrdreg $0xFFFFFFFF  }
0xae: {  	[dreg:$0x0] =	wrdreg $0x60  }
0xaf: {  	[dreg:$0x2] =	wrdreg s18  }
0xb0: {  	[dreg:$0x3] =	wrdreg s2  }
0xb1: {  	[dreg:$0x4] =	wrdreg s24  }
0xb2: {  	[dreg:$0x5] =	wrdreg $0x9  }
0xb3: {  	_ =	task.clear_ibuf [dreg:s8], $0x6FFFF;
	_ =	strace $0x90000046  }
0xb4: {  	s29 =	simm.s32 $0x9;
	_ =	strace $0x80000048  }
0xb5: {  	_ =	swait.ge [sflag:s29], $0x1  }
0xb6: {  	[sflag:s29] =	ssyncadd.s32 $0xFFFFFFFF  }
0xb7: {  	_ =	strace $0x90000048  }
0xb8: {  	_ =	sfence  }
0xb9: {  	s30 =	sld [smem:$0x0];
	_ =	sdelay $0x2  }
0xba: {  	s31 =	sshll.u32 s1, $0xD;
	s1 =	sshrl.u32 s1, $0x2  }
0xbb: {  	s3 =	sand.u32 $0x4000, s31;
	s1 =	sadd.s32 s1, s30  }
0xbc: {  	s0 =	sor.u32 s3, s0;
	s1 =	sshll.u32 s1, $0x11  }
0xbd: {  	s0 =	sor.u32 s1, s0  }
0xbe: {  	s0 =	sadd.s32 $0x8F2B, s0  }
0xbf: {  	[sflag:s0] =	ssyncadd.remote.s32 $0x1  }
0xc0: {  	_ =	sfence.sel $0xFFFF  }
0xc1: {  	[dreg:$0x0] =	wrdreg $0xFFFFFFFF;
	(pc) =	sbr.abs _section_cstart, $3  }
0xc2: {  	[dreg:$0x1] =	wrdreg $0xFFFFFFFF  }
0xc3: {  	_ =	task.clear_ibuf [dreg:s8], $0x2FFFF;
	_ =	strace $0x9FFFFFFF  }
0xc4: {  	(tm) =	ssettm $0x7FFFFFFF  }
0xc5: {  	_ =	shalt  }
tec
execute0_lowered:
.L_overlay_start_1:
0x0: {  	(tag) =	ssettag $0x1  }
0x1: {  	s1 =	rddreg [dreg:$0x0];
	s2 =	srdreg.scid  }
0x2: {  	s4 =	rddreg [dreg:$0x1];
	s0 =	stileid.u32;
	s13 =	sand.u32 $0x1, s2  }
0x3: {  	s9 =	rddreg [dreg:$0x2];
	s5 =	sshll.u32 s0, $0xA;
	s6 =	sshll.u32 s13, $0x9  }
0x4: {  	s3 =	simm.s32 $0x0;
	s2 =	rddreg [dreg:$0x3];
	s10 =	sor.u32 s6, s5  }
0x5: {  	[smem:$0x7FF] =	sst s3;
	s5 =	sshrl.u32 s10, $0x3  }
0x6: {  	_ =	strace $0x80000047;
	s5 =	sadd.s32 s4, s5;
	s4 =	simm.s32 $0x2  }
0x7: {  	[tilespmem:s3], [sflag:$0x2] =	stream.linear.gather [hbm4b:s5+s3], $0x200, $0x38;
	[tilespmem:$0x4200] =	vst v63  }
0x8: {  	_ =	swait.ge [sflag:s4], $0x200  }
0x9: {  	s7 =	simm.s32 $0x200;
	[sflag:s4] =	ssyncset.done $0x0  }
0xa: {  	s8 =	simm.s32 $0x1;
	s6 =	simm.s32 $0x80;
	[sflag:s4] =	ssyncadd.s32 $0xFFFFFE00  }
0xb: {  	[tilespmem:s7], [sflag:$0x1] =	stream.indirect.gather [hbm4b:s1+s6], $0x80, s3, s6, $0xb8;
	[tilespmem:$0x4200] =	vst v63  }
0xc: {  	s10 =	sshll.u32 s10, $0x4;
	_ =	swait.ge [sflag:s8], $0x4000  }
0xd: {  	s14 =	sadd.s32 s10, s9;
	[sflag:s8] =	ssyncset.done $0x0  }
0xe: {  	s9 =	sadd.s32 $0x2400, s14;
	[sflag:s8] =	ssyncadd.s32 $0xFFFFC000  }
0xf: {  	[hbm4b:s9+s3] =	stream.linear.scatter [tilespmem:s7], [sflag:$0x2], $0x4000, $0x38;
	[tilespmem:$0x4200] =	vst v63  }
0x10: {  	_ =	swait.ge [sflag:s4], $0x4000  }
0x11: {  	[sflag:s4] =	ssyncset.done $0x0  }
0x12: {  	[sflag:s4] =	ssyncadd.s32 $0xFFFFC000  }
0x13: {  	[tilespmem:s7], [sflag:$0x1] =	stream.indirect.gather [hbm4b:s1+s6], $0x80, s6, s6, $0xb8;
	[tilespmem:$0x4200] =	vst v63  }
0x14: {  	_ =	swait.ge [sflag:s8], $0x4000  }
0x15: {  	[sflag:s8] =	ssyncset.done $0x0  }
0x16: {  	s10 =	sadd.s32 $0x2C00, s14;
	[sflag:s8] =	ssyncadd.s32 $0xFFFFC000  }
0x17: {  	[hbm4b:s10+s3] =	stream.linear.scatter [tilespmem:s7], [sflag:$0x2], $0x4000, $0x38;
	[tilespmem:$0x4200] =	vst v63  }
0x18: {  	_ =	swait.ge [sflag:s4], $0x4000  }
0x19: {  	[sflag:s4] =	ssyncset.done $0x0  }
0x1a: {  	s11 =	simm.s32 $0x100;
	[sflag:s4] =	ssyncadd.s32 $0xFFFFC000  }
0x1b: {  	[tilespmem:s7], [sflag:$0x1] =	stream.indirect.gather [hbm4b:s1+s6], $0x80, s11, s6, $0xb8;
	[tilespmem:$0x4200] =	vst v63  }
0x1c: {  	_ =	swait.ge [sflag:s8], $0x4000  }
0x1d: {  	[sflag:s8] =	ssyncset.done $0x0  }
0x1e: {  	s15 =	ssub.s32 $0x2, s13;
	s12 =	sadd.s32 $0x3400, s14;
	[sflag:s8] =	ssyncadd.s32 $0xFFFFC000  }
0x1f: {  	[hbm4b:s12+s3] =	stream.linear.scatter [tilespmem:s7], [sflag:$0x2], $0x4000, $0x38;
	[tilespmem:$0x4200] =	vst v63  }
0x20: {  	s16 =	sshrl.u32 s15, $0x1;
	_ =	swait.ge [sflag:s4], $0x4000  }
0x21: {  	s15 =	ssub.s32 s15, s16;
	[sflag:s4] =	ssyncset.done $0x0  }
0x22: {  	s13 =	simm.s32 $0x180;
	s15 =	smax.u32 s15, $0x1;
	[sflag:s4] =	ssyncadd.s32 $0xFFFFC000  }
0x23: {  	[tilespmem:s7], [sflag:$0x1] =	stream.indirect.gather [hbm4b:s1+s6], $0x80, s13, s6, $0xb8;
	[tilespmem:$0x4200] =	vst v63  }
0x24: {  	p0 =	sne.s32 s15, $0x1;
	_ =	swait.ge [sflag:s8], $0x4000  }
.Ltmp0:
0x25: {  	[sflag:s8] =	ssyncset.done $0x0;
	(pc) =	sbr.rel @!p0 .LBB2_2-.Ltmp0, $4  }
0x26: {  	s14 =	sadd.s32 $0x3C00, s14;
	[sflag:s8] =	ssyncadd.s32 $0xFFFFC000  }
0x27: {  	[hbm4b:s14+s3] =	stream.linear.scatter [tilespmem:s7], [sflag:$0x2], $0x4000, $0x38;
	[tilespmem:$0x4200] =	vst v63  }
0x28: {  	_ =	swait.ge [sflag:s4], $0x4000  }
0x29: {  	s15 =	sadd.s32 $0xFFFFFFFF, s15;
	[sflag:s4] =	ssyncset.done $0x0  }
.LBB2_1:
0x2a: {  	p0 =	sne.s32 s15, $0x1;
	s15 =	sadd.s32 $0xFFFFFFFF, s15;
	[sflag:s4] =	ssyncadd.s32 $0xFFFFC000  }
0x2b: {  	[tilespmem:s3], [sflag:$0x2] =	stream.linear.gather [hbm4b:s5+s3], $0x200, $0x38;
	[tilespmem:$0x4200] =	vst v63  }
0x2c: {  	_ =	swait.ge [sflag:s4], $0x200  }
0x2d: {  	[sflag:s4] =	ssyncset.done $0x0  }
0x2e: {  	[sflag:s4] =	ssyncadd.s32 $0xFFFFFE00  }
0x2f: {  	[tilespmem:s7], [sflag:$0x1] =	stream.indirect.gather [hbm4b:s1+s6], $0x80, s3, s6, $0xb8;
	[tilespmem:$0x4200] =	vst v63  }
0x30: {  	_ =	swait.ge [sflag:s8], $0x4000  }
0x31: {  	[sflag:s8] =	ssyncset.done $0x0  }
0x32: {  	[sflag:s8] =	ssyncadd.s32 $0xFFFFC000  }
0x33: {  	[hbm4b:s9+s3] =	stream.linear.scatter [tilespmem:s7], [sflag:$0x2], $0x4000, $0x38;
	[tilespmem:$0x4200] =	vst v63  }
0x34: {  	_ =	swait.ge [sflag:s4], $0x4000  }
0x35: {  	[sflag:s4] =	ssyncset.done $0x0  }
0x36: {  	[sflag:s4] =	ssyncadd.s32 $0xFFFFC000  }
0x37: {  	[tilespmem:s7], [sflag:$0x1] =	stream.indirect.gather [hbm4b:s1+s6], $0x80, s6, s6, $0xb8;
	[tilespmem:$0x4200] =	vst v63  }
0x38: {  	_ =	swait.ge [sflag:s8], $0x4000  }
0x39: {  	[sflag:s8] =	ssyncset.done $0x0  }
0x3a: {  	[sflag:s8] =	ssyncadd.s32 $0xFFFFC000  }
0x3b: {  	[hbm4b:s10+s3] =	stream.linear.scatter [tilespmem:s7], [sflag:$0x2], $0x4000, $0x38;
	[tilespmem:$0x4200] =	vst v63  }
0x3c: {  	_ =	swait.ge [sflag:s4], $0x4000  }
0x3d: {  	[sflag:s4] =	ssyncset.done $0x0  }
0x3e: {  	[sflag:s4] =	ssyncadd.s32 $0xFFFFC000  }
0x3f: {  	[tilespmem:s7], [sflag:$0x1] =	stream.indirect.gather [hbm4b:s1+s6], $0x80, s11, s6, $0xb8;
	[tilespmem:$0x4200] =	vst v63  }
0x40: {  	_ =	swait.ge [sflag:s8], $0x4000  }
0x41: {  	[sflag:s8] =	ssyncset.done $0x0  }
0x42: {  	[sflag:s8] =	ssyncadd.s32 $0xFFFFC000  }
0x43: {  	[hbm4b:s12+s3] =	stream.linear.scatter [tilespmem:s7], [sflag:$0x2], $0x4000, $0x38;
	[tilespmem:$0x4200] =	vst v63  }
0x44: {  	_ =	swait.ge [sflag:s4], $0x4000  }
0x45: {  	[sflag:s4] =	ssyncset.done $0x0  }
0x46: {  	[sflag:s4] =	ssyncadd.s32 $0xFFFFC000  }
0x47: {  	[tilespmem:s7], [sflag:$0x1] =	stream.indirect.gather [hbm4b:s1+s6], $0x80, s13, s6, $0xb8;
	[tilespmem:$0x4200] =	vst v63  }
0x48: {  	_ =	swait.ge [sflag:s8], $0x4000  }
.Ltmp1:
0x49: {  	[sflag:s8] =	ssyncset.done $0x0;
	(pc) =	sbr.rel @p0 .LBB2_1-.Ltmp1, $4  }
0x4a: {  	[sflag:s8] =	ssyncadd.s32 $0xFFFFC000  }
0x4b: {  	[hbm4b:s14+s3] =	stream.linear.scatter [tilespmem:s7], [sflag:$0x2], $0x4000, $0x38;
	[tilespmem:$0x4200] =	vst v63  }
0x4c: {  	_ =	swait.ge [sflag:s4], $0x4000  }
0x4d: {  	[sflag:s4] =	ssyncset.done $0x0  }
.LBB2_2:
0x4e: {  	[sflag:s4] =	ssyncadd.s32 $0xFFFFC000  }
0x4f: {  	_ =	sfence.sel $0x180000  }
0x50: {  	[bflag:$0x0] =	sbarrier.arrive $0xFFFF  }
0x51: {  	p0 =	sne.s32 s0, $0x0;
	_ =	strace $0x90000047  }
0x52: {  	s0 =	sadd.s32 @!p0 $0x100000, s2;
	[bflag:$0x2] =	sbarrier.arrive $0xFFFF  }
0x53: {  	[sflag:s0] =	ssyncadd.tile.s32 @!p0 $0x1;
	_ =	shalt  }
.Lfunc_end2:
_tile_overlayer_lowered:
.L_overlay_start_2:
0x54: {  	(tag) =	ssettag $0x2  }
0x55: {  	s0 =	rddreg [dreg:$0x0];
	s2 =	stileid.u32  }
0x56: {  	s1 =	rddreg [dreg:$0x1];
	p0 =	sne.s32 s2, $0x0  }
0x57: {  	s3 =	rddreg [dreg:$0x2];
	[bflag:$0x3] =	sbarrier.arrive $0xFFFF;
	s2 =	simm.s32 @!p0 $0x1C02  }
0x58: {  	[timem:s3], [sflag:s2] =	dma.local @!p0 [hbm:s0], s1  }
0x59: {  	s0 =	simm.s32 @!p0 $0x2  }
0x5a: {  	_ =	swait.ge @!p0 [sflag:s0], s1  }
0x5b: {  	s1 =	ssub.s32 @!p0 $0x0, s1;
	[sflag:s0] =	ssyncset.done @!p0 $0x0  }
0x5c: {  	[sflag:s0] =	ssyncadd.s32 @!p0 s1  }
0x5d: {  	[bflag:$0x3] =	sbarrier.arrive $0xFFFF  }
0x5e: {  	_ =	shalt  }

// kernel: kernel.9.cloned.1.call-start
scs
__scs_entry_jumppad:
0x0: {  	(pc) =	sbr.rel $0x88, $3  }
0x1: {  	(tag) =	ssettag $0x0;
	lr =	simm.s32 $0x1  }
0x2: {  	[smem:$0x3F9B] =	sst lr;
	_ =	strace $0xD0000000  }
0x3: {  	_ = 	snop  }
0x4: {  	_ = 	snop  }
0x5: {  	_ = 	snop  }
0x6: {  	_ = 	snop  }
0x7: {  	_ = 	snop  }
__scs_overlays_trampoline_lowered:
0x8: {  	[smem:$0x3FAA] =	sst s0  }
0x9: {  	[smem:$0x3FAB] =	sst s1  }
0xa: {  	[smem:$0x3FAC] =	sst s2  }
0xb: {  	[smem:$0x3FAD] =	sst s3  }
0xc: {  	[smem:$0x3FAE] =	sst s4  }
0xd: {  	[smem:$0x3FAF] =	sst s5  }
0xe: {  	[smem:$0x3FB0] =	sst s6  }
0xf: {  	[smem:$0x3FB1] =	sst s7  }
0x10: {  	[smem:$0x3FB2] =	sst s8  }
0x11: {  	[smem:$0x3FB3] =	sst s9;
	s0 =	simm.s32 @!p0 $0x0  }
0x12: {  	s1 =	sld [smem:$0x3F99];
	s0 =	simm.s32 @p0 $0x1  }
0x13: {  	[smem:$0x3FB4] =	sst s0;
	s0 =	simm.s32 @!p1 $0x0  }
0x14: {  	s2 =	sld [smem:$0x3F98];
	s0 =	simm.s32 @p1 $0x1  }
0x15: {  	[smem:$0x3FB5] =	sst s0;
	s0 =	simm.s32 @!p2 $0x0  }
0x16: {  	s3 =	sld [smem:$0x3FDB];
	s0 =	simm.s32 @p2 $0x1  }
0x17: {  	s4 =	simm.s32 $0x1BF5;
	[smem:$0x3FB7] =	sst s0  }
0x18: {  	s0 =	sld [smem:$0x3F9A];
	_ =	swait.ge [sflag:s4], $0x0  }
0x19: {  	s7 =	sld [smem:$0x3F9B]  }
0x1a: {  	s8 =	sadd.s32 $0xFFFFE003, lr  }
0x1b: {  	s9 =	sadd.s32 $0xFFFFFEF7, lr;
	s5 =	simm.s32 $0xFFFFFFFF;
	p2 =	slt.u32 s8, $0xFFFFF086  }
0x1c: {  	p1 =	slt.u32 s9, $0xF7A;
	s5 =	simm.s32 @!p2 $0x0  }
0x1d: {  	s5 =	simm.s32 @p1 $0x1;
	p0 =	seq.s32 s7, s2  }
0x1e: {  	s7 =	smul.u32 @!p0 $0xF7A, s2;
	p2 =	seq.s32 @!p0 s5, $0x0  }
0x1f: {  	s9 =	smul.u32 $0xF7A, s1;
	s8 =	simm.s32 @!p0 $0x1BF5;
	p2 =	por !p2, p0  }
0x20: {  	[sflag:s8] =	ssyncset.s32 @!p0 $0xFFFFF086;
	s6 =	sadd.s32 @!p0 s3, s7;
	s7 =	simm.s32 @!p0 $0x108  }
0x21: {  	s3 =	sadd.s32 s3, s9;
	s6 =	sadd.s32 @!p0 $0x88, s6;
	s7 =	simm.s32 @p2 $0x1082  }
0x22: {  	[simem:s7], [sflag:s8] =	dma.local @!p0 [hbm:s6], $0xF7A  }
0x23: {  	s9 =	sor.u32 $0xD0000000, s2;
	s6 =	simm.s32 $0x108;
	_ =	swait.ge @!p0 [sflag:s8], $0x0  }
0x24: {  	s3 =	sadd.s32 $0x88, s3;
	s6 =	simm.s32 @!p1 $0x1082;
	[sflag:s4] =	ssyncset.s32 $0xFFFFF086  }
0x25: {  	[simem:s6], [sflag:s4] =	dma.local [hbm:s3], $0xF7A  }
0x26: {  	[smem:$0x3F9B] =	sst s1;
	(tag) =	ssettag s2;
	_ =	strace s9  }
0x27: {  	s1 =	sld [smem:$0x3FAB]  }
0x28: {  	s2 =	sld [smem:$0x3FAC]  }
0x29: {  	s4 =	sld [smem:$0x3FAE]  }
0x2a: {  	p0 =	seq.s32 s5, $0x0;
	s5 =	sld [smem:$0x3FAF]  }
0x2b: {  	s6 =	sld [smem:$0x3FB0]  }
0x2c: {  	s7 =	sld [smem:$0x3FB1]  }
0x2d: {  	s3 =	simm.s32 $0x108;
	s8 =	sld [smem:$0x3FB2]  }
0x2e: {  	s3 =	simm.s32 @!p0 $0x1082;
	s9 =	sld [smem:$0x3FB3]  }
0x2f: {  	lr =	sadd.s32 s0, s3;
	s0 =	sld [smem:$0x3FAA]  }
0x30: {  	s3 =	sld [smem:$0x3FAD]  }
0x31: {  	[smem:$0x3FB6] =	sst s10  }
0x32: {  	s10 =	sld [smem:$0x3FB4];
	_ =	sdelay $0x3  }
0x33: {  	p0 =	seq.s32 s10, $0x1;
	s10 =	sld [smem:$0x3FB6];
	_ =	sdelay $0x3  }
0x34: {  	[smem:$0x3FB6] =	sst s10  }
0x35: {  	s10 =	sld [smem:$0x3FB5];
	_ =	sdelay $0x3  }
0x36: {  	p1 =	seq.s32 s10, $0x1;
	s10 =	sld [smem:$0x3FB6];
	_ =	sdelay $0x3  }
0x37: {  	[smem:$0x3FB6] =	sst s10  }
0x38: {  	s10 =	sld [smem:$0x3FB7]  }
0x39: {  	_ = 	snop;
	(pc) =	sbr.ind lr, $3  }
0x3a: {  	_ = 	snop  }
0x3b: {  	_ = 	snop  }
0x3c: {  	p2 =	seq.s32 s10, $0x1;
	s10 =	sld [smem:$0x3FB6]  }
0x3d: {  	_ =	shalt  }
0x3e: {  	_ =	shalt  }
0x3f: {  	_ =	shalt  }
0x40: {  	_ =	shalt  }
0x41: {  	_ =	shalt  }
0x42: {  	_ =	shalt  }
0x43: {  	_ =	shalt  }
0x44: {  	_ =	shalt  }
0x45: {  	_ =	shalt  }
0x46: {  	_ =	shalt  }
0x47: {  	_ =	shalt  }
0x48: {  	_ =	shalt  }
0x49: {  	_ =	shalt  }
0x4a: {  	_ =	shalt  }
0x4b: {  	_ =	shalt  }
0x4c: {  	_ =	shalt  }
0x4d: {  	_ =	shalt  }
0x4e: {  	_ =	shalt  }
0x4f: {  	_ =	shalt  }
0x50: {  	_ =	shalt  }
0x51: {  	_ =	shalt  }
0x52: {  	_ =	shalt  }
0x53: {  	_ =	shalt  }
0x54: {  	_ =	shalt  }
0x55: {  	_ =	shalt  }
0x56: {  	_ =	shalt  }
0x57: {  	_ =	shalt  }
0x58: {  	_ =	shalt  }
0x59: {  	_ =	shalt  }
0x5a: {  	_ =	shalt  }
0x5b: {  	_ =	shalt  }
0x5c: {  	_ =	shalt  }
0x5d: {  	_ =	shalt  }
0x5e: {  	_ =	shalt  }
0x5f: {  	_ =	shalt  }
0x60: {  	_ =	shalt  }
0x61: {  	_ =	shalt  }
0x62: {  	_ =	shalt  }
0x63: {  	_ =	shalt  }
0x64: {  	_ =	shalt  }
0x65: {  	_ =	shalt  }
0x66: {  	_ =	shalt  }
0x67: {  	_ =	shalt  }
0x68: {  	_ =	shalt  }
0x69: {  	_ =	shalt  }
0x6a: {  	_ =	shalt  }
0x6b: {  	_ =	shalt  }
0x6c: {  	_ =	shalt  }
0x6d: {  	_ =	shalt  }
0x6e: {  	_ =	shalt  }
0x6f: {  	_ =	shalt  }
0x70: {  	_ =	shalt  }
0x71: {  	_ =	shalt  }
0x72: {  	_ =	shalt  }
0x73: {  	_ =	shalt  }
0x74: {  	_ =	shalt  }
0x75: {  	_ =	shalt  }
0x76: {  	_ =	shalt  }
0x77: {  	_ =	shalt  }
0x78: {  	_ =	shalt  }
0x79: {  	_ =	shalt  }
0x7a: {  	_ =	shalt  }
0x7b: {  	_ =	shalt  }
0x7c: {  	_ =	shalt  }
0x7d: {  	_ =	shalt  }
0x7e: {  	_ =	shalt  }
0x7f: {  	_ =	shalt  }
0x80: {  	_ =	shalt  }
0x81: {  	_ =	shalt  }
0x82: {  	_ =	shalt  }
0x83: {  	_ =	shalt  }
0x84: {  	_ =	shalt  }
0x85: {  	_ =	shalt  }
0x86: {  	_ =	shalt  }
0x87: {  	_ =	shalt  }
.Lfunc_end0:
.L_simem_size_0:
called_computation.1_lowered:
.L_overlay_start_0:
0x88: {  	s2 =	sld [smem:$0x3FD9]  }
0x89: {  	s3 =	sld [smem:$0x3FFE];
	_ =	sdelay $0x1  }
0x8a: {  	s1 =	srdreg.scid  }
0x8b: {  	s0 =	sand.u32 $0x1, s1  }
0x8c: {  	s15 =	sshll.u32 s0, $0xA;
	s2 =	sadd.s32 s3, s2  }
0x8d: {  	s2 =	sadd.s32 s2, s15  }
0x8e: {  	[smem:$0x3FC2] =	sst s2  }
0x8f: {  	_ = 	snop  }
0x90: {  	s16 =	sld [smem:$0x3FD0];
	_ =	sdelay $0x2  }
0x91: {  	s4 =	simm.s32 $0xB;
	s5 =	simm.s32 $0x10;
	s2 =	sld [smem:$0x3FC5]  }
0x92: {  	[smem:s5], [sflag:s4] =	dma.local [hbm:s16], $0x1  }
0x93: {  	_ =	swait.eq [sflag:s4], $0x1  }
0x94: {  	[sflag:s4] =	ssyncset.done $0x0  }
0x95: {  	[sflag:s4] =	ssyncadd.s32 $0xFFFFFFFF  }
0x96: {  	s17 =	sld [smem:$0x11];
	(tm) =	ssettm $0x1  }
0x97: {  	s18 =	sld [smem:$0x3FFB];
	_ =	sdelay $0x3  }
0x98: {  	_ =	strace s18  }
0x99: {  	s3 =	sld [smem:$0x3FFC];
	_ =	sdelay $0x3  }
0x9a: {  	_ =	strace s3  }
0x9b: {  	s3 =	sld [smem:$0x3FFD];
	_ =	sdelay $0x3  }
0x9c: {  	_ =	strace s3  }
0x9d: {  	_ =	strace $0x8FFFFFFF  }
0x9e: {  	s19 =	sld [smem:$0x3FDB];
	_ =	sdelay $0x1  }
0x9f: {  	s20 =	simm.s32 $_scs_section_size  }
0xa0: {  	s6 =	simm.s32 $_size__tile_overlayer_lowered;
	s7 =	simm.s32 $_tile_overlayer_lowered  }
0xa1: {  	s8 =	simm.s32 $0x1BFF;
	s21 =	sshll.u32 s7, $0x1;
	s5 =	sadd.s32 s20, s19  }
0xa2: {  	s22 =	simm.s32 $0x0;
	s6 =	sshll.u32 s6, $0x1;
	s7 =	sadd.s32 s21, s5  }
0xa3: {  	[timem:s22], [sflag:s8] =	dma.local [hbm:s7], s6  }
0xa4: {  	_ =	swait.ge [sflag:s8], s6  }
0xa5: {  	s6 =	ssub.s32 $0x0, s6;
	[sflag:s8] =	ssyncset.done $0x0  }
0xa6: {  	[sflag:s8] =	ssyncadd.s32 s6;
	_ =	sdelay $0x1  }
0xa7: {  	s23 =	simm.s32 $0x1B8B  }
0xa8: {  	_ =	swait.ge [sflag:s23], $0x1  }
0xa9: {  	[sflag:s23] =	ssyncset.done $0x0  }
0xaa: {  	[sflag:s23] =	ssyncadd.s32 $0xFFFFFFFF  }
0xab: {  	s6 =	sld [smem:$0x0]  }
0xac: {  	s7 =	sand.u32 $0xFFFFFFFE, s1  }
0xad: {  	p0 =	sne.s32 s1, s7  }
0xae: {  	s7 =	sshll.u32 @p0 s7, $0xE  }
0xaf: {  	s7 =	sadd.s32 @p0 $0x11B8D, s7;
	s8 =	sshll.u32 @p0 s6, $0x11  }
0xb0: {  	s7 =	sor.u32 @p0 s8, s7  }
0xb1: {  	[sflag:s7] =	ssyncadd.remote.s32 @p0 $0x1;
	_ =	sdelay $0x1  }
0xb2: {  	s7 =	simm.s32 @p0 $0x1B8D  }
0xb3: {  	_ =	swait.eq @p0 [sflag:s7], $0x1  }
0xb4: {  	[sflag:s7] =	ssyncadd.s32 @p0 $0xFFFFFFFF  }
0xb5: {  	s8 =	sshll.u32 @!p0 s1, $0xE  }
0xb6: {  	s8 =	sor.u32 @!p0 $0x4000, s8;
	s7 =	simm.s32 @!p0 $0x1B8D  }
0xb7: {  	s6 =	sshll.u32 @!p0 s6, $0x11;
	s8 =	sadd.s32 @!p0 $0x11B8D, s8;
	_ =	swait.eq @!p0 [sflag:s7], $0x1  }
0xb8: {  	s6 =	sor.u32 @!p0 s6, s8;
	[sflag:s7] =	ssyncadd.s32 @!p0 $0xFFFFFFFF  }
0xb9: {  	s25 =	simm.s32 $0x1B8E;
	s24 =	sld [smem:$0x3FFE];
	[sflag:s6] =	ssyncadd.remote.s32 @!p0 $0x1  }
0xba: {  	s26 =	simm.s32 $execute0_lowered;
	[smem:$0x3FD2] =	sst s25  }
0xbb: {  	s7 =	sshll.u32 s26, $0x1;
	_ =	strace $0x80000049;
	[dreg:$0x1] =	wrdreg $0xFFFFFFFF  }
0xbc: {  	s28 =	simm.s32 $_size_execute0_lowered;
	s5 =	sadd.s32 s5, s7;
	[dreg:$0x0] =	wrdreg $0x0  }
0xbd: {  	s7 =	sshll.u32 s28, $0x1;
	[dreg:$0x2] =	wrdreg s5  }
0xbe: {  	[dreg:$0x3] =	wrdreg s7  }
0xbf: {  	[dreg:$0x4] =	wrdreg $0xC0  }
0xc0: {  	_ =	task [dreg:s22], $0x5FFFF  }
0xc1: {  	[dreg:$0x1] =	wrdreg $0xFFFFFFFF  }
0xc2: {  	[dreg:$0x0] =	wrdreg $0x60  }
0xc3: {  	[dreg:$0x2] =	wrdreg s2  }
0xc4: {  	[dreg:$0x3] =	wrdreg s17  }
0xc5: {  	[dreg:$0x4] =	wrdreg s24  }
0xc6: {  	[dreg:$0x5] =	wrdreg $0xA  }
0xc7: {  	_ =	task.clear_ibuf [dreg:s22], $0x6FFFF;
	_ =	strace $0x90000049  }
0xc8: {  	s29 =	simm.s32 $0xA;
	_ =	strace $0x8000004B  }
0xc9: {  	_ =	swait.ge [sflag:s29], $0x1  }
0xca: {  	[sflag:s29] =	ssyncadd.s32 $0xFFFFFFFF  }
0xcb: {  	_ =	strace $0x9000004B  }
0xcc: {  	_ =	sfence  }
0xcd: {  	s30 =	sld [smem:$0x0];
	_ =	sdelay $0x2  }
0xce: {  	s31 =	sshll.u32 s1, $0xD;
	s1 =	sshrl.u32 s1, $0x2  }
0xcf: {  	s4 =	sand.u32 $0x4000, s31;
	s1 =	sadd.s32 s1, s30  }
0xd0: {  	s0 =	sor.u32 s4, s0;
	s1 =	sshll.u32 s1, $0x11  }
0xd1: {  	s0 =	sor.u32 s1, s0  }
0xd2: {  	s0 =	sadd.s32 $0x8F2B, s0  }
0xd3: {  	[sflag:s0] =	ssyncadd.remote.s32 $0x1  }
0xd4: {  	_ =	sfence.sel $0xFFFF  }
0xd5: {  	[dreg:$0x0] =	wrdreg $0xFFFFFFFF;
	(pc) =	sbr.abs _section_cstart, $3  }
0xd6: {  	[dreg:$0x1] =	wrdreg $0xFFFFFFFF  }
0xd7: {  	_ =	task.clear_ibuf [dreg:s22], $0x2FFFF;
	_ =	strace $0x9FFFFFFF  }
0xd8: {  	(tm) =	ssettm $0x7FFFFFFF  }
0xd9: {  	_ =	shalt  }
tec
execute0_lowered:
.L_overlay_start_1:
0x0: {  	(tag) =	ssettag $0x1  }
0x1: {  	s1 =	rddreg [dreg:$0x0]  }
0x2: {  	s4 =	rddreg [dreg:$0x1]  }
0x3: {  	s0 =	stileid.u32;
	s2 =	srdreg.scid  }
0x4: {  	s5 =	rddreg [dreg:$0x2];
	s6 =	sand.u32 $0x1, s2;
	s3 =	sshll.u32 s0, $0x1  }
0x5: {  	s2 =	rddreg [dreg:$0x3];
	s7 =	smul.u32 $0x54000, s0;
	s8 =	sor.u32 s6, s3  }
0x6: {  	s3 =	simm.s32 $0x0;
	s9 =	ssub.s32 $0x2, s6;
	s6 =	smul.u32 $0x2A000, s6  }
0x7: {  	s11 =	simm.s32 $0x0;
	s8 =	smul.u32 $0x580, s8;
	[smem:$0x7FF] =	sst s3  }
0x8: {  	s10 =	sshrl.u32 s9, $0x1;
	s7 =	sadd.s32 s7, s5;
	_ =	strace $0x8000004A  }
0x9: {  	s31 =	ssub.s32 s9, s10;
	s6 =	sadd.s32 s6, s7;
	s7 =	simm.s32 $0x2  }
0xa: {  	s9 =	simm.s32 $0x2C00;
	s10 =	simm.s32 $0x1;
	s4 =	sadd.s32 s4, s8  }
0xb: {  	s5 =	smax.u32 s31, $0x1;
	s6 =	sadd.s32 $0x42400, s6;
	s8 =	simm.s32 $0x80  }
.LBB2_1:
0xc: {  	[tilespmem:s3], [sflag:$0x2] =	stream.linear.gather [hbm4b:s4+s3], $0x2A00, $0x38;
	[tilespmem:$0x6C00] =	vst v63  }
0xd: {  	_ =	swait.ge [sflag:s7], $0x2A00  }
0xe: {  	[sflag:s7] =	ssyncset.done $0x0  }
0xf: {  	s12 =	simm.s32 $0x0;
	[sflag:s7] =	ssyncadd.s32 $0xFFFFD600  }
0x10: {  	[tilespmem:s9], [sflag:$0x1] =	stream.indirect.gather [hbm4b:s1+s8], $0x80, s12, s8, $0xb8;
	[tilespmem:$0x6C00] =	vst v63  }
0x11: {  	_ =	swait.ge [sflag:s10], $0x4000  }
0x12: {  	[sflag:s10] =	ssyncset.done $0x0  }
0x13: {  	[sflag:s10] =	ssyncadd.s32 $0xFFFFC000  }
0x14: {  	[hbm4b:s6+s3] =	stream.linear.scatter [tilespmem:s9], [sflag:$0x2], $0x4000, $0x38;
	[tilespmem:$0x6C00] =	vst v63  }
0x15: {  	s13 =	simm.s32 $0x200;
	_ =	swait.ge [sflag:s7], $0x4000  }
0x16: {  	s14 =	simm.s32 $0x400;
	s12 =	sadd.s32 $0x800, s6;
	[sflag:s7] =	ssyncset.done $0x0  }
.LBB2_2:
0x17: {  	s15 =	sshra.s32 s13, $0x2  }
0x18: {  	[sflag:s7] =	ssyncadd.s32 $0xFFFFC000;
	s13 =	smov.u32 s14;
	s16 =	sadd.s32 $0x200, s14  }
0x19: {  	[tilespmem:s9], [sflag:$0x1] =	stream.indirect.gather [hbm4b:s1+s8], $0x80, s15, s8, $0xb8;
	[tilespmem:$0x6C00] =	vst v63  }
0x1a: {  	p0 =	sne.s32 s14, $0xA600;
	_ =	swait.ge [sflag:s10], $0x4000  }
.Ltmp0:
0x1b: {  	[sflag:s10] =	ssyncset.done $0x0;
	(pc) =	sbr.rel @p0 .LBB2_2-.Ltmp0, $4  }
0x1c: {  	[sflag:s10] =	ssyncadd.s32 $0xFFFFC000  }
0x1d: {  	[hbm4b:s12+s3] =	stream.linear.scatter [tilespmem:s9], [sflag:$0x2], $0x4000, $0x38;
	[tilespmem:$0x6C00] =	vst v63  }
0x1e: {  	_ =	swait.ge [sflag:s7], $0x4000  }
0x1f: {  	s14 =	smov.u32 s16;
	s12 =	sadd.s32 $0x800, s12;
	[sflag:s7] =	ssyncset.done $0x0  }
0x20: {  	s13 =	sshra.s32 s13, $0x2;
	[sflag:s7] =	ssyncadd.s32 $0xFFFFC000  }
0x21: {  	[tilespmem:s9], [sflag:$0x1] =	stream.indirect.gather [hbm4b:s1+s8], $0x80, s13, s8, $0xb8;
	[tilespmem:$0x6C00] =	vst v63  }
0x22: {  	s11 =	sadd.s32 $0x1, s11;
	_ =	swait.ge [sflag:s10], $0x4000  }
0x23: {  	p0 =	sne.s32 s11, s5;
	[sflag:s10] =	ssyncset.done $0x0  }
.Ltmp1:
0x24: {  	[sflag:s10] =	ssyncadd.s32 $0xFFFFC000;
	(pc) =	sbr.rel @p0 .LBB2_1-.Ltmp1, $4  }
0x25: {  	[hbm4b:s12+s3] =	stream.linear.scatter [tilespmem:s9], [sflag:$0x2], $0x4000, $0x38;
	[tilespmem:$0x6C00] =	vst v63  }
0x26: {  	_ =	swait.ge [sflag:s7], $0x4000  }
0x27: {  	[sflag:s7] =	ssyncset.done $0x0  }
0x28: {  	[sflag:s7] =	ssyncadd.s32 $0xFFFFC000  }
0x29: {  	_ =	sfence.sel $0x180000  }
0x2a: {  	[bflag:$0x0] =	sbarrier.arrive $0xFFFF  }
0x2b: {  	p0 =	sne.s32 s0, $0x0;
	_ =	strace $0x9000004A  }
0x2c: {  	s0 =	sadd.s32 @!p0 $0x100000, s2;
	[bflag:$0x2] =	sbarrier.arrive $0xFFFF  }
0x2d: {  	[sflag:s0] =	ssyncadd.tile.s32 @!p0 $0x1;
	_ =	shalt  }
.Lfunc_end2:
_tile_overlayer_lowered:
.L_overlay_start_2:
0x2e: {  	(tag) =	ssettag $0x2  }
0x2f: {  	s0 =	rddreg [dreg:$0x0];
	s2 =	stileid.u32  }
0x30: {  	s1 =	rddreg [dreg:$0x1];
	p0 =	sne.s32 s2, $0x0  }
0x31: {  	s3 =	rddreg [dreg:$0x2];
	[bflag:$0x3] =	sbarrier.arrive $0xFFFF;
	s2 =	simm.s32 @!p0 $0x1C02  }
0x32: {  	[timem:s3], [sflag:s2] =	dma.local @!p0 [hbm:s0], s1  }
0x33: {  	s0 =	simm.s32 @!p0 $0x2  }
0x34: {  	_ =	swait.ge @!p0 [sflag:s0], s1  }
0x35: {  	s1 =	ssub.s32 @!p0 $0x0, s1;
	[sflag:s0] =	ssyncset.done @!p0 $0x0  }
0x36: {  	[sflag:s0] =	ssyncadd.s32 @!p0 s1  }
0x37: {  	[bflag:$0x3] =	sbarrier.arrive $0xFFFF  }
0x38: {  	_ =	shalt  }

</sc_bundles>
